<compile_context>
chip_gen: v7x
topology: tpu7x:2x2x1
jax: 0.10.2.dev20260603
libtpu: 0.0.44.dev20260713+nightly
codegen_flags: <defaults>
</compile_context>

<pallas_src>
import functools

import jax
import jax.numpy as jnp
from jax import lax
from jax.experimental import pallas as pl
from jax.experimental.pallas import tpu as pltpu
from jax.experimental.pallas import tpu_sc as plsc


def _tc_node_scalars(x, w2d, p_e, b_e, L):
    n, d = x.shape

    def body(p_ref, b_ref, x_ref, w_ref, st_ref, scal_ref):
        st_ref[...] = lax.dot_general(
            w_ref[...], x_ref[...],
            dimension_numbers=(((1,), (1,)), ((), ())),
            preferred_element_type=jnp.float32,
        )
        scal_ref[...] = jnp.concatenate(
            [jnp.full((L,), p_ref[0], jnp.float32),
             jnp.full((L,), b_ref[0], jnp.float32)]
        )

    return pl.pallas_call(
        body,
        in_specs=[
            pl.BlockSpec(memory_space=pltpu.SMEM),
            pl.BlockSpec(memory_space=pltpu.SMEM),
            pl.BlockSpec((n, d), lambda: (0, 0)),
            pl.BlockSpec((2, d), lambda: (0, 0)),
        ],
        out_specs=[
            pl.BlockSpec((2, n), lambda: (0, 0)),
            pl.BlockSpec((2 * L,), lambda: (0,)),
        ],
        out_shape=[
            jax.ShapeDtypeStruct((2, n), jnp.float32),
            jax.ShapeDtypeStruct((2 * L,), jnp.float32),
        ],
    )(p_e.reshape(1), b_e.reshape(1), x, w2d)


def _sc_edge_sigmoid(st, edge_index, scal):
    n = st.shape[1]
    e = edge_index.shape[1]
    info = plsc.get_sparse_core_info()
    nc, ns, L = info.num_cores, info.num_subcores, info.num_lanes
    nw = nc * ns
    assert e % (nw * L) == 0
    epw = e // nw
    tile = 512
    cover = (epw + tile - 1) // tile * tile + tile
    assert e % tile == 0 and cover <= e
    mesh = plsc.VectorSubcoreMesh(core_axis_name="c", subcore_axis_name="s")

    splitA = (epw // 2 + (cover - epw) + tile - 1) // tile * tile
    splitB = cover - splitA

    @functools.partial(
        pl.kernel,
        mesh=mesh,
        compiler_params=pltpu.CompilerParams(needs_layout_passes=False),
        out_type=(
            jax.ShapeDtypeStruct((e,), jnp.float32),
            jax.ShapeDtypeStruct((e,), jnp.float32),
        ),
        scratch_types=[
            pltpu.VMEM((n,), jnp.float32),
            pltpu.VMEM((n,), jnp.float32),
            pltpu.VMEM((2, cover), jnp.int32),
            pltpu.VMEM((epw,), jnp.float32),
            pltpu.VMEM((epw,), jnp.float32),
            pltpu.VMEM((L,), jnp.float32),
            pltpu.VMEM((L,), jnp.float32),
            pltpu.VMEM_SHARED((n,), jnp.float32),
            pltpu.VMEM_SHARED((n,), jnp.float32),
            pltpu.SemaphoreType.DMA,
            pltpu.SemaphoreType.DMA,
            pltpu.SemaphoreType.DMA,
            pltpu.SemaphoreType.DMA,
            pltpu.SemaphoreType.DMA,
            pltpu.SemaphoreType.DMA,
            pltpu.SemaphoreType.DMA,
            pltpu.SemaphoreType.DMA,
        ],
    )
    def k(st_hbm, ei_hbm, scal_hbm, wp_hbm, beta_hbm,
          s_v, t_v, ei_v, wp_v, beta_v, p_v, b_v, s_sh, t_sh,
          sem0, sem1, sem2, sem3, sem4, sem5, sem6, sem7):
        sid = lax.axis_index("s")
        wid = sid * nc + lax.axis_index("c")
        base = wid * epw
        lo = jnp.minimum(base // tile * tile, e - cover)
        lo = pl.multiple_of(lo, tile)
        local = base - lo
        c2a = pltpu.async_copy(ei_hbm.at[:, pl.ds(lo, splitA)],
                               ei_v.at[:, pl.ds(0, splitA)], sem2)
        c2b = pltpu.async_copy(ei_hbm.at[:, pl.ds(lo + splitA, splitB)],
                               ei_v.at[:, pl.ds(splitA, splitB)], sem7)

        @pl.when(sid == 0)
        def _():
            i0 = pltpu.async_copy(st_hbm.at[0], s_sh, sem0)
            i1 = pltpu.async_copy(st_hbm.at[1], t_sh, sem1)
            i0.wait()
            i1.wait()

        plsc.subcore_barrier()
        c0 = pltpu.async_copy(s_sh, s_v, sem0)
        c1 = pltpu.async_copy(t_sh, t_v, sem1)
        pltpu.sync_copy(scal_hbm.at[pl.ds(0, L)], p_v)
        pltpu.sync_copy(scal_hbm.at[pl.ds(L, L)], b_v)
        p = p_v[...]
        b = b_v[...]
        c0.wait()
        c1.wait()
        c2a.wait()

        def run_chunk(lo_e, hi_e):
            @plsc.parallel_loop(lo_e, hi_e, L, unroll=16)
            def body(off):
                si = ei_v[0, pl.ds(local + off, L)]
                di = ei_v[1, pl.ds(local + off, L)]
                a = plsc.load_gather(s_v, [si])
                c = plsc.load_gather(t_v, [di])
                z = a + c + b
                bet = 1.0 / (1.0 + jnp.exp(-z))
                beta_v[pl.ds(off, L)] = bet
                wp_v[pl.ds(off, L)] = 1.0 + bet * p

        h0 = (epw // 2) // L * L
        h1 = epw - h0
        run_chunk(0, h0)
        o0 = pltpu.async_copy(wp_v.at[pl.ds(0, h0)],
                              wp_hbm.at[pl.ds(base, h0)], sem3)
        o1 = pltpu.async_copy(beta_v.at[pl.ds(0, h0)],
                              beta_hbm.at[pl.ds(base, h0)], sem4)
        c2b.wait()
        run_chunk(h0, epw)
        o2 = pltpu.async_copy(wp_v.at[pl.ds(h0, h1)],
                              wp_hbm.at[pl.ds(base + h0, h1)], sem5)
        o3 = pltpu.async_copy(beta_v.at[pl.ds(h0, h1)],
                              beta_hbm.at[pl.ds(base + h0, h1)], sem6)
        o0.wait()
        o1.wait()
        o2.wait()
        o3.wait()

    return k(st, edge_index, scal)


def kernel(x, edge_index, p_e, W_e, b_e):
    n, d = x.shape
    w2d = W_e.reshape(2, d)
    L = plsc.get_sparse_core_info().num_lanes
    st, scal = _tc_node_scalars(x, w2d,
                                jnp.asarray(p_e, jnp.float32),
                                jnp.asarray(b_e, jnp.float32), L)
    w_p, beta = _sc_edge_sigmoid(st, edge_index, scal)
    return (w_p, beta)

# --- scband reference (transcript-rebuilt; emitter-appended) ---
"""Pipeline reference for scband-edge-structure-prompting-54906861912494 (READ-ONLY COPY).

The authoritative reference and input builder live on the scoring server;
editing this copy changes nothing except your own understanding.
"""

import jax, jax.numpy as jnp
import numpy as np

N, D, E = 10000, 128, 320000

def setup_inputs(seed: int = 0) -> dict:
    key = jax.random.key(seed)
    k1, k2, k3, k4 = jax.random.split(key, 4)
    x = jax.random.normal(k1, (N, D), dtype=jnp.float32)
    edge_index = jax.random.randint(k2, (2, E), 0, N, dtype=jnp.int32)
    p_e = jax.random.normal(k3, (), dtype=jnp.float32) * 0.01
    W_e = jax.random.normal(k4, (2 * D,), dtype=jnp.float32) * 0.01
    b_e = jnp.zeros((), dtype=jnp.float32)
    return {"x": x, "edge_index": edge_index, "p_e": p_e, "W_e": W_e, "b_e": b_e}

def reference(x, edge_index, p_e, W_e, b_e):
    src = edge_index[0]
    dst = edge_index[1]
    pair = jnp.concatenate([jnp.take(x, src, axis=0), jnp.take(x, dst, axis=0)], axis=-1)
    beta = jax.nn.sigmoid(pair @ W_e + b_e)
    edge_weight = jnp.ones((edge_index.shape[1],), dtype=x.dtype)
    w_p = edge_weight * (1.0 + beta * p_e)
    return (w_p, beta)

if __name__ == "__main__":
    import jax
    _d = setup_inputs()
    print(jax.jit(kernel)(*tuple(_d.values())))

</pallas_src>

<mosaic_0001>
#map = affine_map<(d0, d1) -> (0, 0)>
#map1 = affine_map<(d0, d1) -> (0)>
module attributes {stable_mosaic.version = 14 : i64} {
  func.func @k(%arg0: i32, %arg1: i32, %arg2: memref<2x10000xf32, #tpu.memory_space<hbm>>, %arg3: memref<2x320000xi32, #tpu.memory_space<hbm>>, %arg4: memref<32xf32, #tpu.memory_space<hbm>>, %arg5: memref<320000xf32, #tpu.memory_space<hbm>>, %arg6: memref<320000xf32, #tpu.memory_space<hbm>>, %arg7: memref<10000xf32, #tpu.memory_space<vmem>>, %arg8: memref<10000xf32, #tpu.memory_space<vmem>>, %arg9: memref<2x10752xi32, #tpu.memory_space<vmem>>, %arg10: memref<10000xf32, #tpu.memory_space<vmem>>, %arg11: memref<10000xf32, #tpu.memory_space<vmem>>, %arg12: memref<16xf32, #tpu.memory_space<vmem>>, %arg13: memref<16xf32, #tpu.memory_space<vmem>>, %arg14: memref<10000xf32, #tpu.memory_space<vmem_shared>>, %arg15: memref<10000xf32, #tpu.memory_space<vmem_shared>>, %arg16: memref<!tpu.dma_semaphore, #tpu.memory_space<semaphore_mem>>, %arg17: memref<!tpu.dma_semaphore, #tpu.memory_space<semaphore_mem>>, %arg18: memref<!tpu.dma_semaphore, #tpu.memory_space<semaphore_mem>>, %arg19: memref<!tpu.dma_semaphore, #tpu.memory_space<semaphore_mem>>, %arg20: memref<!tpu.dma_semaphore, #tpu.memory_space<semaphore_mem>>, %arg21: memref<!tpu.dma_semaphore, #tpu.memory_space<semaphore_mem>>, %arg22: memref<!tpu.dma_semaphore, #tpu.memory_space<semaphore_mem>>, %arg23: memref<!tpu.dma_semaphore, #tpu.memory_space<semaphore_mem>>) attributes {dimension_semantics = [#tpu.dimension_semantics<core_parallel>, #tpu.dimension_semantics<subcore_parallel>], iteration_bounds = array<i64: 2, 16>, scalar_prefetch = 0 : i64, scratch_operands = 17 : i64, tpu.core_type = #tpu.core_type<sc_vector_subcore>, window_params = [{transform_indices = #map}, {transform_indices = #map}, {transform_indices = #map1}, {transform_indices = #map1}, {transform_indices = #map1}]} {
    %mul3A = arith.constant 2 : i32
    %mul3A_0 = arith.muli %arg1, %mul3A : i32
    %add3A = arith.addi %mul3A_0, %arg0 : i32
    %mul3A_1 = arith.constant 10000 : i32
    %mul3A_2 = arith.muli %add3A, %mul3A_1 : i32
    %jit3A = arith.constant 512 : i32
    %div3A = arith.divsi %mul3A_2, %jit3A : i32
    %sign3A = arith.constant 0 : i32
    %sign3A_3 = arith.cmpi sgt, %mul3A_2, %sign3A : i32
    %sign3A_4 = arith.extui %sign3A_3 : i1 to i32
    %sign3A_5 = arith.constant 0 : i32
    %sign3A_6 = arith.cmpi slt, %mul3A_2, %sign3A_5 : i32
    %sign3A_7 = arith.extui %sign3A_6 : i1 to i32
    %sign3A_8 = arith.subi %sign3A_4, %sign3A_7 : i32
    %sign3A_9 = arith.constant 0 : i32
    %sign3A_10 = arith.cmpi sgt, %jit3A, %sign3A_9 : i32
    %sign3A_11 = arith.extui %sign3A_10 : i1 to i32
    %sign3A_12 = arith.constant 0 : i32
    %sign3A_13 = arith.cmpi slt, %jit3A, %sign3A_12 : i32
    %sign3A_14 = arith.extui %sign3A_13 : i1 to i32
    %sign3A_15 = arith.subi %sign3A_11, %sign3A_14 : i32
    %ne3A = arith.cmpi ne, %sign3A_8, %sign3A_15 : i32
    %rem3A = arith.remsi %mul3A_2, %jit3A : i32
    %ne3A_16 = arith.constant 0 : i32
    %ne3A_17 = arith.cmpi ne, %rem3A, %ne3A_16 : i32
    %and3A = arith.andi %ne3A, %ne3A_17 : i1
    %sub3A = arith.constant 1 : i32
    %sub3A_18 = arith.subi %div3A, %sub3A : i32
    %select_n3A = arith.select %and3A, %sub3A_18, %div3A : i32
    %mul3A_19 = arith.constant 512 : i32
    %mul3A_20 = arith.muli %select_n3A, %mul3A_19 : i32
    %min3A = arith.constant 309248 : i32
    %min3A_21 = arith.minsi %mul3A_20, %min3A : i32
    %multiple_of3A = tpu.assume_multiple %min3A_21, 512 : i32
    %sub3A_22 = arith.subi %mul3A_2, %multiple_of3A : i32
    %dma_start3A = arith.constant 0 : i32
    %dma_start3A_23 = arith.constant 0 : i32
    %dma_start3A_24 = tpu.memref_slice %arg9[%dma_start3A, %dma_start3A_23] : memref<2x10752xi32, #tpu.memory_space<vmem>> -> memref<2x6144xi32, #tpu.memory_space<vmem>>
    %dma_start3A_25 = arith.constant 0 : i32
    %dma_start3A_26 = tpu.memref_slice %arg3[%dma_start3A_25, %multiple_of3A] : memref<2x320000xi32, #tpu.memory_space<hbm>> -> memref<2x6144xi32, #tpu.memory_space<hbm>>
    %dma_start3A_27 = arith.constant 0 : i32
    %dma_start3A_28 = arith.constant 0 : i32
    %dma_start3A_29 = tpu.memref_slice %arg9[%dma_start3A_27, %dma_start3A_28] : memref<2x10752xi32, #tpu.memory_space<vmem>> -> memref<2x6144xi32, #tpu.memory_space<vmem>>
    %dma_start3A_30 = arith.constant 0 : i32
    %dma_start3A_31 = tpu.memref_slice %arg3[%dma_start3A_30, %multiple_of3A] : memref<2x320000xi32, #tpu.memory_space<hbm>> -> memref<2x6144xi32, #tpu.memory_space<hbm>>
    tpu.enqueue_dma source(%dma_start3A_31 : memref<2x6144xi32, #tpu.memory_space<hbm>>) target(%dma_start3A_29 : memref<2x6144xi32, #tpu.memory_space<vmem>>) target_semaphore(%arg18 : memref<!tpu.dma_semaphore, #tpu.memory_space<semaphore_mem>>)
    %add3A_32 = arith.constant 6144 : i32
    %add3A_33 = arith.addi %multiple_of3A, %add3A_32 : i32
    %dma_start3A_34 = arith.constant 0 : i32
    %dma_start3A_35 = arith.constant 6144 : i32
    %dma_start3A_36 = tpu.memref_slice %arg9[%dma_start3A_34, %dma_start3A_35] : memref<2x10752xi32, #tpu.memory_space<vmem>> -> memref<2x4608xi32, #tpu.memory_space<vmem>>
    %dma_start3A_37 = arith.constant 0 : i32
    %dma_start3A_38 = tpu.memref_slice %arg3[%dma_start3A_37, %add3A_33] : memref<2x320000xi32, #tpu.memory_space<hbm>> -> memref<2x4608xi32, #tpu.memory_space<hbm>>
    %dma_start3A_39 = arith.constant 0 : i32
    %dma_start3A_40 = arith.constant 6144 : i32
    %dma_start3A_41 = tpu.memref_slice %arg9[%dma_start3A_39, %dma_start3A_40] : memref<2x10752xi32, #tpu.memory_space<vmem>> -> memref<2x4608xi32, #tpu.memory_space<vmem>>
    %dma_start3A_42 = arith.constant 0 : i32
    %dma_start3A_43 = tpu.memref_slice %arg3[%dma_start3A_42, %add3A_33] : memref<2x320000xi32, #tpu.memory_space<hbm>> -> memref<2x4608xi32, #tpu.memory_space<hbm>>
    tpu.enqueue_dma source(%dma_start3A_43 : memref<2x4608xi32, #tpu.memory_space<hbm>>) target(%dma_start3A_41 : memref<2x4608xi32, #tpu.memory_space<vmem>>) target_semaphore(%arg23 : memref<!tpu.dma_semaphore, #tpu.memory_space<semaphore_mem>>)
    %eq3A = arith.constant 0 : i32
    %eq3A_44 = arith.cmpi eq, %arg1, %eq3A : i32
    %convert_element_type3A = arith.extui %eq3A_44 : i1 to i32
    %cond3A = arith.constant 0 : i32
    %cond3A_45 = arith.cmpi ne, %convert_element_type3A, %cond3A : i32
    scf.if %cond3A_45 {
      %dma_start3A_125 = arith.constant 0 : i32
      %dma_start3A_126 = arith.constant 0 : i32
      %dma_start3A_127 = tpu.memref_slice %arg2[%dma_start3A_125, %dma_start3A_126] : memref<2x10000xf32, #tpu.memory_space<hbm>> -> memref<1x10000xf32, #tpu.memory_space<hbm>>
      %dma_start3A_128 = tpu.memref_squeeze %dma_start3A_127 : memref<1x10000xf32, #tpu.memory_space<hbm>> -> memref<10000xf32, #tpu.memory_space<hbm>>
      tpu.enqueue_dma source(%dma_start3A_128 : memref<10000xf32, #tpu.memory_space<hbm>>) target(%arg14 : memref<10000xf32, #tpu.memory_space<vmem_shared>>) target_semaphore(%arg16 : memref<!tpu.dma_semaphore, #tpu.memory_space<semaphore_mem>>)
      %dma_start3A_129 = arith.constant 1 : i32
      %dma_start3A_130 = arith.constant 0 : i32
      %dma_start3A_131 = tpu.memref_slice %arg2[%dma_start3A_129, %dma_start3A_130] : memref<2x10000xf32, #tpu.memory_space<hbm>> -> memref<1x10000xf32, #tpu.memory_space<hbm>>
      %dma_start3A_132 = tpu.memref_squeeze %dma_start3A_131 : memref<1x10000xf32, #tpu.memory_space<hbm>> -> memref<10000xf32, #tpu.memory_space<hbm>>
      tpu.enqueue_dma source(%dma_start3A_132 : memref<10000xf32, #tpu.memory_space<hbm>>) target(%arg15 : memref<10000xf32, #tpu.memory_space<vmem_shared>>) target_semaphore(%arg17 : memref<!tpu.dma_semaphore, #tpu.memory_space<semaphore_mem>>)
      %dma_wait3A_133 = arith.constant 0 : i32
      %dma_wait3A_134 = arith.constant 0 : i32
      %dma_wait3A_135 = tpu.memref_slice %arg2[%dma_wait3A_133, %dma_wait3A_134] : memref<2x10000xf32, #tpu.memory_space<hbm>> -> memref<1x10000xf32, #tpu.memory_space<hbm>>
      %dma_wait3A_136 = tpu.memref_squeeze %dma_wait3A_135 : memref<1x10000xf32, #tpu.memory_space<hbm>> -> memref<10000xf32, #tpu.memory_space<hbm>>
      tpu.wait_dma2 semaphore(%arg16 : memref<!tpu.dma_semaphore, #tpu.memory_space<semaphore_mem>>) src(%dma_wait3A_136 : memref<10000xf32, #tpu.memory_space<hbm>>) dst(%arg14 : memref<10000xf32, #tpu.memory_space<vmem_shared>>)
      %dma_wait3A_137 = arith.constant 1 : i32
      %dma_wait3A_138 = arith.constant 0 : i32
      %dma_wait3A_139 = tpu.memref_slice %arg2[%dma_wait3A_137, %dma_wait3A_138] : memref<2x10000xf32, #tpu.memory_space<hbm>> -> memref<1x10000xf32, #tpu.memory_space<hbm>>
      %dma_wait3A_140 = tpu.memref_squeeze %dma_wait3A_139 : memref<1x10000xf32, #tpu.memory_space<hbm>> -> memref<10000xf32, #tpu.memory_space<hbm>>
      tpu.wait_dma2 semaphore(%arg17 : memref<!tpu.dma_semaphore, #tpu.memory_space<semaphore_mem>>) src(%dma_wait3A_140 : memref<10000xf32, #tpu.memory_space<hbm>>) dst(%arg15 : memref<10000xf32, #tpu.memory_space<vmem_shared>>)
    } else {
    }
    %barrier3A = arith.constant 0 : index
    tpu.barrier barrier_id(%barrier3A)
    tpu.enqueue_dma source(%arg14 : memref<10000xf32, #tpu.memory_space<vmem_shared>>) target(%arg7 : memref<10000xf32, #tpu.memory_space<vmem>>) target_semaphore(%arg16 : memref<!tpu.dma_semaphore, #tpu.memory_space<semaphore_mem>>)
    tpu.enqueue_dma source(%arg15 : memref<10000xf32, #tpu.memory_space<vmem_shared>>) target(%arg8 : memref<10000xf32, #tpu.memory_space<vmem>>) target_semaphore(%arg17 : memref<!tpu.dma_semaphore, #tpu.memory_space<semaphore_mem>>)
    "tpu.region"() ({
      %run_scoped3A = tpu.sem_alloc : memref<!tpu.dma_semaphore, #tpu.memory_space<semaphore_mem>>
      %dma_start3A_125 = arith.constant 0 : i32
      %dma_start3A_126 = tpu.memref_slice %arg4[%dma_start3A_125] : memref<32xf32, #tpu.memory_space<hbm>> -> memref<16xf32, #tpu.memory_space<hbm>>
      %dma_start3A_127 = arith.constant 0 : i32
      %dma_start3A_128 = tpu.memref_slice %arg4[%dma_start3A_127] : memref<32xf32, #tpu.memory_space<hbm>> -> memref<16xf32, #tpu.memory_space<hbm>>
      tpu.enqueue_dma source(%dma_start3A_128 : memref<16xf32, #tpu.memory_space<hbm>>) target(%arg12 : memref<16xf32, #tpu.memory_space<vmem>>) target_semaphore(%run_scoped3A : memref<!tpu.dma_semaphore, #tpu.memory_space<semaphore_mem>>)
      %dma_wait3A_129 = arith.constant 0 : i32
      %dma_wait3A_130 = tpu.memref_slice %arg4[%dma_wait3A_129] : memref<32xf32, #tpu.memory_space<hbm>> -> memref<16xf32, #tpu.memory_space<hbm>>
      %dma_wait3A_131 = arith.constant 0 : i32
      %dma_wait3A_132 = tpu.memref_slice %arg4[%dma_wait3A_131] : memref<32xf32, #tpu.memory_space<hbm>> -> memref<16xf32, #tpu.memory_space<hbm>>
      tpu.wait_dma2 semaphore(%run_scoped3A : memref<!tpu.dma_semaphore, #tpu.memory_space<semaphore_mem>>) src(%dma_wait3A_132 : memref<16xf32, #tpu.memory_space<hbm>>) dst(%arg12 : memref<16xf32, #tpu.memory_space<vmem>>)
      tpu.yield
    }) : () -> ()
    "tpu.region"() ({
      %run_scoped3A = tpu.sem_alloc : memref<!tpu.dma_semaphore, #tpu.memory_space<semaphore_mem>>
      %dma_start3A_125 = arith.constant 16 : i32
      %dma_start3A_126 = tpu.memref_slice %arg4[%dma_start3A_125] : memref<32xf32, #tpu.memory_space<hbm>> -> memref<16xf32, #tpu.memory_space<hbm>>
      %dma_start3A_127 = arith.constant 16 : i32
      %dma_start3A_128 = tpu.memref_slice %arg4[%dma_start3A_127] : memref<32xf32, #tpu.memory_space<hbm>> -> memref<16xf32, #tpu.memory_space<hbm>>
      tpu.enqueue_dma source(%dma_start3A_128 : memref<16xf32, #tpu.memory_space<hbm>>) target(%arg13 : memref<16xf32, #tpu.memory_space<vmem>>) target_semaphore(%run_scoped3A : memref<!tpu.dma_semaphore, #tpu.memory_space<semaphore_mem>>)
      %dma_wait3A_129 = arith.constant 16 : i32
      %dma_wait3A_130 = tpu.memref_slice %arg4[%dma_wait3A_129] : memref<32xf32, #tpu.memory_space<hbm>> -> memref<16xf32, #tpu.memory_space<hbm>>
      %dma_wait3A_131 = arith.constant 16 : i32
      %dma_wait3A_132 = tpu.memref_slice %arg4[%dma_wait3A_131] : memref<32xf32, #tpu.memory_space<hbm>> -> memref<16xf32, #tpu.memory_space<hbm>>
      tpu.wait_dma2 semaphore(%run_scoped3A : memref<!tpu.dma_semaphore, #tpu.memory_space<semaphore_mem>>) src(%dma_wait3A_132 : memref<16xf32, #tpu.memory_space<hbm>>) dst(%arg13 : memref<16xf32, #tpu.memory_space<vmem>>)
      tpu.yield
    }) : () -> ()
    %get3A = arith.constant 0 : index
    %get3A_46 = tpu.vector_load %arg12[%get3A] {strides = array<i32>} : memref<16xf32, #tpu.memory_space<vmem>>, vector<16xf32>,
    %get3A_47 = arith.constant 0 : index
    %get3A_48 = tpu.vector_load %arg13[%get3A_47] {strides = array<i32>} : memref<16xf32, #tpu.memory_space<vmem>>, vector<16xf32>,
    tpu.wait_dma2 semaphore(%arg16 : memref<!tpu.dma_semaphore, #tpu.memory_space<semaphore_mem>>) src(%arg14 : memref<10000xf32, #tpu.memory_space<vmem_shared>>) dst(%arg7 : memref<10000xf32, #tpu.memory_space<vmem>>)
    tpu.wait_dma2 semaphore(%arg17 : memref<!tpu.dma_semaphore, #tpu.memory_space<semaphore_mem>>) src(%arg15 : memref<10000xf32, #tpu.memory_space<vmem_shared>>) dst(%arg8 : memref<10000xf32, #tpu.memory_space<vmem>>)
    %dma_wait3A = arith.constant 0 : i32
    %dma_wait3A_49 = arith.constant 0 : i32
    %dma_wait3A_50 = tpu.memref_slice %arg9[%dma_wait3A, %dma_wait3A_49] : memref<2x10752xi32, #tpu.memory_space<vmem>> -> memref<2x6144xi32, #tpu.memory_space<vmem>>
    %dma_wait3A_51 = arith.constant 0 : i32
    %dma_wait3A_52 = tpu.memref_slice %arg3[%dma_wait3A_51, %multiple_of3A] : memref<2x320000xi32, #tpu.memory_space<hbm>> -> memref<2x6144xi32, #tpu.memory_space<hbm>>
    %dma_wait3A_53 = arith.constant 0 : i32
    %dma_wait3A_54 = arith.constant 0 : i32
    %dma_wait3A_55 = tpu.memref_slice %arg9[%dma_wait3A_53, %dma_wait3A_54] : memref<2x10752xi32, #tpu.memory_space<vmem>> -> memref<2x6144xi32, #tpu.memory_space<vmem>>
    %dma_wait3A_56 = arith.constant 0 : i32
    %dma_wait3A_57 = tpu.memref_slice %arg3[%dma_wait3A_56, %multiple_of3A] : memref<2x320000xi32, #tpu.memory_space<hbm>> -> memref<2x6144xi32, #tpu.memory_space<hbm>>
    tpu.wait_dma2 semaphore(%arg18 : memref<!tpu.dma_semaphore, #tpu.memory_space<semaphore_mem>>) src(%dma_wait3A_57 : memref<2x6144xi32, #tpu.memory_space<hbm>>) dst(%dma_wait3A_55 : memref<2x6144xi32, #tpu.memory_space<vmem>>)
    %parallel_loop3A = arith.constant 0 : i32
    %parallel_loop3A_58 = arith.constant 4992 : i32
    %parallel_loop3A_59 = arith.constant 16 : i32
    scf.for %parallel_loop3A_125 = %parallel_loop3A to %parallel_loop3A_58 step %parallel_loop3A_59  : i32 {
      %parallel_loop3A_126 = arith.addi %sub3A_22, %parallel_loop3A_125 : i32
      %parallel_loop3A_127 = arith.constant 0 : i32
      %parallel_loop3A_128 = arith.index_cast %parallel_loop3A_127 : i32 to index
      %parallel_loop3A_129 = arith.index_cast %parallel_loop3A_126 : i32 to index
      %parallel_loop3A_130 = tpu.vector_load %arg9[%parallel_loop3A_128, %parallel_loop3A_129] {strides = array<i32>} : memref<2x10752xi32, #tpu.memory_space<vmem>>, vector<16xi32>,
      %parallel_loop3A_131 = arith.addi %sub3A_22, %parallel_loop3A_125 : i32
      %parallel_loop3A_132 = arith.constant 1 : i32
      %parallel_loop3A_133 = arith.index_cast %parallel_loop3A_132 : i32 to index
      %parallel_loop3A_134 = arith.index_cast %parallel_loop3A_131 : i32 to index
      %parallel_loop3A_135 = tpu.vector_load %arg9[%parallel_loop3A_133, %parallel_loop3A_134] {strides = array<i32>} : memref<2x10752xi32, #tpu.memory_space<vmem>>, vector<16xi32>,
      %parallel_loop3A_136 = tpu.vector_load_idx %arg7[%parallel_loop3A_130] : memref<10000xf32, #tpu.memory_space<vmem>>[vector<16xi32>], vector<16xf32>,
      %parallel_loop3A_137 = tpu.vector_load_idx %arg8[%parallel_loop3A_135] : memref<10000xf32, #tpu.memory_space<vmem>>[vector<16xi32>], vector<16xf32>,
      %parallel_loop3A_138 = arith.addf %parallel_loop3A_136, %parallel_loop3A_137 : vector<16xf32>
      %parallel_loop3A_139 = arith.addf %parallel_loop3A_138, %get3A_48 : vector<16xf32>
      %parallel_loop3A_140 = arith.constant 0.000000e+00 : f32
      %parallel_loop3A_141 = vector.broadcast %parallel_loop3A_140 : f32 to vector<16xf32>
      %parallel_loop3A_142 = arith.subf %parallel_loop3A_141, %parallel_loop3A_139 : vector<16xf32>
      %parallel_loop3A_143 = math.exp %parallel_loop3A_142 : vector<16xf32>
      %parallel_loop3A_144 = arith.constant 1.000000e+00 : f32
      %parallel_loop3A_145 = vector.broadcast %parallel_loop3A_144 : f32 to vector<16xf32>
      %parallel_loop3A_146 = arith.addf %parallel_loop3A_145, %parallel_loop3A_143 : vector<16xf32>
      %parallel_loop3A_147 = arith.constant 1.000000e+00 : f32
      %parallel_loop3A_148 = vector.broadcast %parallel_loop3A_147 : f32 to vector<16xf32>
      %parallel_loop3A_149 = arith.divf %parallel_loop3A_148, %parallel_loop3A_146 : vector<16xf32>
      %parallel_loop3A_150 = arith.index_cast %parallel_loop3A_125 : i32 to index
      %parallel_loop3A_151 = tpu.vector_load %arg11[%parallel_loop3A_150] {strides = array<i32>} : memref<10000xf32, #tpu.memory_space<vmem>>, vector<16xf32>,
      tpu.vector_store %arg11[%parallel_loop3A_150], %parallel_loop3A_149 {strides = array<i32>} : memref<10000xf32, #tpu.memory_space<vmem>>, vector<16xf32>,
      %parallel_loop3A_152 = arith.mulf %parallel_loop3A_149, %get3A_46 : vector<16xf32>
      %parallel_loop3A_153 = arith.constant 1.000000e+00 : f32
      %parallel_loop3A_154 = vector.broadcast %parallel_loop3A_153 : f32 to vector<16xf32>
      %parallel_loop3A_155 = arith.addf %parallel_loop3A_154, %parallel_loop3A_152 : vector<16xf32>
      %parallel_loop3A_156 = arith.index_cast %parallel_loop3A_125 : i32 to index
      %parallel_loop3A_157 = tpu.vector_load %arg10[%parallel_loop3A_156] {strides = array<i32>} : memref<10000xf32, #tpu.memory_space<vmem>>, vector<16xf32>,
      tpu.vector_store %arg10[%parallel_loop3A_156], %parallel_loop3A_155 {strides = array<i32>} : memref<10000xf32, #tpu.memory_space<vmem>>, vector<16xf32>,
    } {sc.loop_unroll_factor = 16 : i64, sc.parallel_access}
    %dma_start3A_60 = arith.constant 0 : i32
    %dma_start3A_61 = tpu.memref_slice %arg10[%dma_start3A_60] : memref<10000xf32, #tpu.memory_space<vmem>> -> memref<4992xf32, #tpu.memory_space<vmem>>
    %dma_start3A_62 = tpu.memref_slice %arg5[%mul3A_2] : memref<320000xf32, #tpu.memory_space<hbm>> -> memref<4992xf32, #tpu.memory_space<hbm>>
    %dma_start3A_63 = tpu.memref_slice %arg5[%mul3A_2] : memref<320000xf32, #tpu.memory_space<hbm>> -> memref<4992xf32, #tpu.memory_space<hbm>>
    %dma_start3A_64 = arith.constant 0 : i32
    %dma_start3A_65 = tpu.memref_slice %arg10[%dma_start3A_64] : memref<10000xf32, #tpu.memory_space<vmem>> -> memref<4992xf32, #tpu.memory_space<vmem>>
    tpu.enqueue_dma source(%dma_start3A_65 : memref<4992xf32, #tpu.memory_space<vmem>>) target(%dma_start3A_63 : memref<4992xf32, #tpu.memory_space<hbm>>) target_semaphore(%arg19 : memref<!tpu.dma_semaphore, #tpu.memory_space<semaphore_mem>>)
    %dma_start3A_66 = arith.constant 0 : i32
    %dma_start3A_67 = tpu.memref_slice %arg11[%dma_start3A_66] : memref<10000xf32, #tpu.memory_space<vmem>> -> memref<4992xf32, #tpu.memory_space<vmem>>
    %dma_start3A_68 = tpu.memref_slice %arg6[%mul3A_2] : memref<320000xf32, #tpu.memory_space<hbm>> -> memref<4992xf32, #tpu.memory_space<hbm>>
    %dma_start3A_69 = tpu.memref_slice %arg6[%mul3A_2] : memref<320000xf32, #tpu.memory_space<hbm>> -> memref<4992xf32, #tpu.memory_space<hbm>>
    %dma_start3A_70 = arith.constant 0 : i32
    %dma_start3A_71 = tpu.memref_slice %arg11[%dma_start3A_70] : memref<10000xf32, #tpu.memory_space<vmem>> -> memref<4992xf32, #tpu.memory_space<vmem>>
    tpu.enqueue_dma source(%dma_start3A_71 : memref<4992xf32, #tpu.memory_space<vmem>>) target(%dma_start3A_69 : memref<4992xf32, #tpu.memory_space<hbm>>) target_semaphore(%arg20 : memref<!tpu.dma_semaphore, #tpu.memory_space<semaphore_mem>>)
    %dma_wait3A_72 = arith.constant 0 : i32
    %dma_wait3A_73 = arith.constant 6144 : i32
    %dma_wait3A_74 = tpu.memref_slice %arg9[%dma_wait3A_72, %dma_wait3A_73] : memref<2x10752xi32, #tpu.memory_space<vmem>> -> memref<2x4608xi32, #tpu.memory_space<vmem>>
    %dma_wait3A_75 = arith.constant 0 : i32
    %dma_wait3A_76 = tpu.memref_slice %arg3[%dma_wait3A_75, %add3A_33] : memref<2x320000xi32, #tpu.memory_space<hbm>> -> memref<2x4608xi32, #tpu.memory_space<hbm>>
    %dma_wait3A_77 = arith.constant 0 : i32
    %dma_wait3A_78 = arith.constant 6144 : i32
    %dma_wait3A_79 = tpu.memref_slice %arg9[%dma_wait3A_77, %dma_wait3A_78] : memref<2x10752xi32, #tpu.memory_space<vmem>> -> memref<2x4608xi32, #tpu.memory_space<vmem>>
    %dma_wait3A_80 = arith.constant 0 : i32
    %dma_wait3A_81 = tpu.memref_slice %arg3[%dma_wait3A_80, %add3A_33] : memref<2x320000xi32, #tpu.memory_space<hbm>> -> memref<2x4608xi32, #tpu.memory_space<hbm>>
    tpu.wait_dma2 semaphore(%arg23 : memref<!tpu.dma_semaphore, #tpu.memory_space<semaphore_mem>>) src(%dma_wait3A_81 : memref<2x4608xi32, #tpu.memory_space<hbm>>) dst(%dma_wait3A_79 : memref<2x4608xi32, #tpu.memory_space<vmem>>)
    %parallel_loop3A_82 = arith.constant 4992 : i32
    %parallel_loop3A_83 = arith.constant 10000 : i32
    %parallel_loop3A_84 = arith.constant 16 : i32
    scf.for %parallel_loop3A_125 = %parallel_loop3A_82 to %parallel_loop3A_83 step %parallel_loop3A_84  : i32 {
      %parallel_loop3A_126 = arith.addi %sub3A_22, %parallel_loop3A_125 : i32
      %parallel_loop3A_127 = arith.constant 0 : i32
      %parallel_loop3A_128 = arith.index_cast %parallel_loop3A_127 : i32 to index
      %parallel_loop3A_129 = arith.index_cast %parallel_loop3A_126 : i32 to index
      %parallel_loop3A_130 = tpu.vector_load %arg9[%parallel_loop3A_128, %parallel_loop3A_129] {strides = array<i32>} : memref<2x10752xi32, #tpu.memory_space<vmem>>, vector<16xi32>,
      %parallel_loop3A_131 = arith.addi %sub3A_22, %parallel_loop3A_125 : i32
      %parallel_loop3A_132 = arith.constant 1 : i32
      %parallel_loop3A_133 = arith.index_cast %parallel_loop3A_132 : i32 to index
      %parallel_loop3A_134 = arith.index_cast %parallel_loop3A_131 : i32 to index
      %parallel_loop3A_135 = tpu.vector_load %arg9[%parallel_loop3A_133, %parallel_loop3A_134] {strides = array<i32>} : memref<2x10752xi32, #tpu.memory_space<vmem>>, vector<16xi32>,
      %parallel_loop3A_136 = tpu.vector_load_idx %arg7[%parallel_loop3A_130] : memref<10000xf32, #tpu.memory_space<vmem>>[vector<16xi32>], vector<16xf32>,
      %parallel_loop3A_137 = tpu.vector_load_idx %arg8[%parallel_loop3A_135] : memref<10000xf32, #tpu.memory_space<vmem>>[vector<16xi32>], vector<16xf32>,
      %parallel_loop3A_138 = arith.addf %parallel_loop3A_136, %parallel_loop3A_137 : vector<16xf32>
      %parallel_loop3A_139 = arith.addf %parallel_loop3A_138, %get3A_48 : vector<16xf32>
      %parallel_loop3A_140 = arith.constant 0.000000e+00 : f32
      %parallel_loop3A_141 = vector.broadcast %parallel_loop3A_140 : f32 to vector<16xf32>
      %parallel_loop3A_142 = arith.subf %parallel_loop3A_141, %parallel_loop3A_139 : vector<16xf32>
      %parallel_loop3A_143 = math.exp %parallel_loop3A_142 : vector<16xf32>
      %parallel_loop3A_144 = arith.constant 1.000000e+00 : f32
      %parallel_loop3A_145 = vector.broadcast %parallel_loop3A_144 : f32 to vector<16xf32>
      %parallel_loop3A_146 = arith.addf %parallel_loop3A_145, %parallel_loop3A_143 : vector<16xf32>
      %parallel_loop3A_147 = arith.constant 1.000000e+00 : f32
      %parallel_loop3A_148 = vector.broadcast %parallel_loop3A_147 : f32 to vector<16xf32>
      %parallel_loop3A_149 = arith.divf %parallel_loop3A_148, %parallel_loop3A_146 : vector<16xf32>
      %parallel_loop3A_150 = arith.index_cast %parallel_loop3A_125 : i32 to index
      %parallel_loop3A_151 = tpu.vector_load %arg11[%parallel_loop3A_150] {strides = array<i32>} : memref<10000xf32, #tpu.memory_space<vmem>>, vector<16xf32>,
      tpu.vector_store %arg11[%parallel_loop3A_150], %parallel_loop3A_149 {strides = array<i32>} : memref<10000xf32, #tpu.memory_space<vmem>>, vector<16xf32>,
      %parallel_loop3A_152 = arith.mulf %parallel_loop3A_149, %get3A_46 : vector<16xf32>
      %parallel_loop3A_153 = arith.constant 1.000000e+00 : f32
      %parallel_loop3A_154 = vector.broadcast %parallel_loop3A_153 : f32 to vector<16xf32>
      %parallel_loop3A_155 = arith.addf %parallel_loop3A_154, %parallel_loop3A_152 : vector<16xf32>
      %parallel_loop3A_156 = arith.index_cast %parallel_loop3A_125 : i32 to index
      %parallel_loop3A_157 = tpu.vector_load %arg10[%parallel_loop3A_156] {strides = array<i32>} : memref<10000xf32, #tpu.memory_space<vmem>>, vector<16xf32>,
      tpu.vector_store %arg10[%parallel_loop3A_156], %parallel_loop3A_155 {strides = array<i32>} : memref<10000xf32, #tpu.memory_space<vmem>>, vector<16xf32>,
    } {sc.loop_unroll_factor = 16 : i64, sc.parallel_access}
    %add3A_85 = arith.constant 4992 : i32
    %add3A_86 = arith.addi %mul3A_2, %add3A_85 : i32
    %dma_start3A_87 = arith.constant 4992 : i32
    %dma_start3A_88 = tpu.memref_slice %arg10[%dma_start3A_87] : memref<10000xf32, #tpu.memory_space<vmem>> -> memref<5008xf32, #tpu.memory_space<vmem>>
    %dma_start3A_89 = tpu.memref_slice %arg5[%add3A_86] : memref<320000xf32, #tpu.memory_space<hbm>> -> memref<5008xf32, #tpu.memory_space<hbm>>
    %dma_start3A_90 = tpu.memref_slice %arg5[%add3A_86] : memref<320000xf32, #tpu.memory_space<hbm>> -> memref<5008xf32, #tpu.memory_space<hbm>>
    %dma_start3A_91 = arith.constant 4992 : i32
    %dma_start3A_92 = tpu.memref_slice %arg10[%dma_start3A_91] : memref<10000xf32, #tpu.memory_space<vmem>> -> memref<5008xf32, #tpu.memory_space<vmem>>
    tpu.enqueue_dma source(%dma_start3A_92 : memref<5008xf32, #tpu.memory_space<vmem>>) target(%dma_start3A_90 : memref<5008xf32, #tpu.memory_space<hbm>>) target_semaphore(%arg21 : memref<!tpu.dma_semaphore, #tpu.memory_space<semaphore_mem>>)
    %add3A_93 = arith.constant 4992 : i32
    %add3A_94 = arith.addi %mul3A_2, %add3A_93 : i32
    %dma_start3A_95 = arith.constant 4992 : i32
    %dma_start3A_96 = tpu.memref_slice %arg11[%dma_start3A_95] : memref<10000xf32, #tpu.memory_space<vmem>> -> memref<5008xf32, #tpu.memory_space<vmem>>
    %dma_start3A_97 = tpu.memref_slice %arg6[%add3A_94] : memref<320000xf32, #tpu.memory_space<hbm>> -> memref<5008xf32, #tpu.memory_space<hbm>>
    %dma_start3A_98 = tpu.memref_slice %arg6[%add3A_94] : memref<320000xf32, #tpu.memory_space<hbm>> -> memref<5008xf32, #tpu.memory_space<hbm>>
    %dma_start3A_99 = arith.constant 4992 : i32
    %dma_start3A_100 = tpu.memref_slice %arg11[%dma_start3A_99] : memref<10000xf32, #tpu.memory_space<vmem>> -> memref<5008xf32, #tpu.memory_space<vmem>>
    tpu.enqueue_dma source(%dma_start3A_100 : memref<5008xf32, #tpu.memory_space<vmem>>) target(%dma_start3A_98 : memref<5008xf32, #tpu.memory_space<hbm>>) target_semaphore(%arg22 : memref<!tpu.dma_semaphore, #tpu.memory_space<semaphore_mem>>)
    %dma_wait3A_101 = arith.constant 0 : i32
    %dma_wait3A_102 = tpu.memref_slice %arg10[%dma_wait3A_101] : memref<10000xf32, #tpu.memory_space<vmem>> -> memref<4992xf32, #tpu.memory_space<vmem>>
    %dma_wait3A_103 = tpu.memref_slice %arg5[%mul3A_2] : memref<320000xf32, #tpu.memory_space<hbm>> -> memref<4992xf32, #tpu.memory_space<hbm>>
    %dma_wait3A_104 = tpu.memref_slice %arg5[%mul3A_2] : memref<320000xf32, #tpu.memory_space<hbm>> -> memref<4992xf32, #tpu.memory_space<hbm>>
    %dma_wait3A_105 = arith.constant 0 : i32
    %dma_wait3A_106 = tpu.memref_slice %arg10[%dma_wait3A_105] : memref<10000xf32, #tpu.memory_space<vmem>> -> memref<4992xf32, #tpu.memory_space<vmem>>
    tpu.wait_dma2 semaphore(%arg19 : memref<!tpu.dma_semaphore, #tpu.memory_space<semaphore_mem>>) src(%dma_wait3A_106 : memref<4992xf32, #tpu.memory_space<vmem>>) dst(%dma_wait3A_104 : memref<4992xf32, #tpu.memory_space<hbm>>)
    %dma_wait3A_107 = arith.constant 0 : i32
    %dma_wait3A_108 = tpu.memref_slice %arg11[%dma_wait3A_107] : memref<10000xf32, #tpu.memory_space<vmem>> -> memref<4992xf32, #tpu.memory_space<vmem>>
    %dma_wait3A_109 = tpu.memref_slice %arg6[%mul3A_2] : memref<320000xf32, #tpu.memory_space<hbm>> -> memref<4992xf32, #tpu.memory_space<hbm>>
    %dma_wait3A_110 = tpu.memref_slice %arg6[%mul3A_2] : memref<320000xf32, #tpu.memory_space<hbm>> -> memref<4992xf32, #tpu.memory_space<hbm>>
    %dma_wait3A_111 = arith.constant 0 : i32
    %dma_wait3A_112 = tpu.memref_slice %arg11[%dma_wait3A_111] : memref<10000xf32, #tpu.memory_space<vmem>> -> memref<4992xf32, #tpu.memory_space<vmem>>
    tpu.wait_dma2 semaphore(%arg20 : memref<!tpu.dma_semaphore, #tpu.memory_space<semaphore_mem>>) src(%dma_wait3A_112 : memref<4992xf32, #tpu.memory_space<vmem>>) dst(%dma_wait3A_110 : memref<4992xf32, #tpu.memory_space<hbm>>)
    %dma_wait3A_113 = arith.constant 4992 : i32
    %dma_wait3A_114 = tpu.memref_slice %arg10[%dma_wait3A_113] : memref<10000xf32, #tpu.memory_space<vmem>> -> memref<5008xf32, #tpu.memory_space<vmem>>
    %dma_wait3A_115 = tpu.memref_slice %arg5[%add3A_86] : memref<320000xf32, #tpu.memory_space<hbm>> -> memref<5008xf32, #tpu.memory_space<hbm>>
    %dma_wait3A_116 = tpu.memref_slice %arg5[%add3A_86] : memref<320000xf32, #tpu.memory_space<hbm>> -> memref<5008xf32, #tpu.memory_space<hbm>>
    %dma_wait3A_117 = arith.constant 4992 : i32
    %dma_wait3A_118 = tpu.memref_slice %arg10[%dma_wait3A_117] : memref<10000xf32, #tpu.memory_space<vmem>> -> memref<5008xf32, #tpu.memory_space<vmem>>
    tpu.wait_dma2 semaphore(%arg21 : memref<!tpu.dma_semaphore, #tpu.memory_space<semaphore_mem>>) src(%dma_wait3A_118 : memref<5008xf32, #tpu.memory_space<vmem>>) dst(%dma_wait3A_116 : memref<5008xf32, #tpu.memory_space<hbm>>)
    %dma_wait3A_119 = arith.constant 4992 : i32
    %dma_wait3A_120 = tpu.memref_slice %arg11[%dma_wait3A_119] : memref<10000xf32, #tpu.memory_space<vmem>> -> memref<5008xf32, #tpu.memory_space<vmem>>
    %dma_wait3A_121 = tpu.memref_slice %arg6[%add3A_94] : memref<320000xf32, #tpu.memory_space<hbm>> -> memref<5008xf32, #tpu.memory_space<hbm>>
    %dma_wait3A_122 = tpu.memref_slice %arg6[%add3A_94] : memref<320000xf32, #tpu.memory_space<hbm>> -> memref<5008xf32, #tpu.memory_space<hbm>>
    %dma_wait3A_123 = arith.constant 4992 : i32
    %dma_wait3A_124 = tpu.memref_slice %arg11[%dma_wait3A_123] : memref<10000xf32, #tpu.memory_space<vmem>> -> memref<5008xf32, #tpu.memory_space<vmem>>
    tpu.wait_dma2 semaphore(%arg22 : memref<!tpu.dma_semaphore, #tpu.memory_space<semaphore_mem>>) src(%dma_wait3A_124 : memref<5008xf32, #tpu.memory_space<vmem>>) dst(%dma_wait3A_122 : memref<5008xf32, #tpu.memory_space<hbm>>)
    return
  }
}

module attributes {stable_mosaic.version = 14 : i64} {
  func.func @body(%arg0: memref<1xf32, #tpu.memory_space<smem>>, %arg1: memref<1xf32, #tpu.memory_space<smem>>, %arg2: memref<10000x128xf32, #tpu.memory_space<vmem>>, %arg3: memref<2x128xf32, #tpu.memory_space<vmem>>, %arg4: memref<2x10000xf32, #tpu.memory_space<vmem>>, %arg5: memref<32xf32, #tpu.memory_space<vmem>>) attributes {dimension_semantics = [], scalar_prefetch = 0 : i64, scratch_operands = 0 : i64, tpu.core_type = #tpu.core_type<tc>} {
    %get3A = arith.constant 0 : index
    %get3A_0 = arith.constant 0 : index
    %get3A_1 = vector.load %arg3[%get3A, %get3A_0] : memref<2x128xf32, #tpu.memory_space<vmem>>, vector<2x128xf32>
    %get3A_2 = arith.constant 0 : index
    %get3A_3 = arith.constant 0 : index
    %get3A_4 = vector.load %arg2[%get3A_2, %get3A_3] : memref<10000x128xf32, #tpu.memory_space<vmem>>, vector<10000x128xf32>
    %dot_general3A = arith.constant dense<0.000000e+00> : vector<2x10000xf32>
    %dot_general3A_5 = tpu.matmul %get3A_1, %get3A_4, %dot_general3A {dimension_numbers = #tpu.dot_dimension_numbers<[1], [1], [0], [0], [0, 0, 1, 0], [], []>, transpose_lhs_hint = false} : vector<2x128xf32>, vector<10000x128xf32>, vector<2x10000xf32> -> vector<2x10000xf32>
    %swap3A = arith.constant 0 : index
    %swap3A_6 = arith.constant 0 : index
    %swap3A_7 = vector.load %arg4[%swap3A, %swap3A_6] : memref<2x10000xf32, #tpu.memory_space<vmem>>, vector<2x10000xf32>
    tpu.vector_store %arg4[%swap3A, %swap3A_6], %dot_general3A_5 {strides = array<i32>} : memref<2x10000xf32, #tpu.memory_space<vmem>>, vector<2x10000xf32>,
    %get3A_8 = arith.constant 0 : index
    %get3A_9 = memref.load %arg0[%get3A_8] : memref<1xf32, #tpu.memory_space<smem>>
    %broadcast_in_dim3A = vector.broadcast %get3A_9 : f32 to vector<16xf32>
    %get3A_10 = arith.constant 0 : index
    %get3A_11 = memref.load %arg1[%get3A_10] : memref<1xf32, #tpu.memory_space<smem>>
    %broadcast_in_dim3A_12 = vector.broadcast %get3A_11 : f32 to vector<16xf32>
    %concatenate3A = tpu.concatenate %broadcast_in_dim3A, %broadcast_in_dim3A_12 in 0 : vector<16xf32>, vector<16xf32> -> vector<32xf32>
    %swap3A_13 = arith.constant 0 : index
    %swap3A_14 = vector.load %arg5[%swap3A_13] : memref<32xf32, #tpu.memory_space<vmem>>, vector<32xf32>
    tpu.vector_store %arg5[%swap3A_13], %concatenate3A {strides = array<i32>} : memref<32xf32, #tpu.memory_space<vmem>>, vector<32xf32>,
    return
  }
}

</mosaic_0001>

<sc_bundles>
// kernel: kernel.4.cloned.1.call-start
scs
__scs_entry_jumppad:
0x0: {  	(pc) =	sbr.rel $0x88, $3  }
0x1: {  	(tag) =	ssettag $0x0;
	lr =	simm.s32 $0x1  }
0x2: {  	[smem:$0x3F9C] =	sst lr;
	_ =	strace $0xD0000000  }
0x3: {  	_ = 	snop  }
0x4: {  	_ = 	snop  }
0x5: {  	_ = 	snop  }
0x6: {  	_ = 	snop  }
0x7: {  	_ = 	snop  }
__scs_overlays_trampoline_lowered:
0x8: {  	[smem:$0x3FAB] =	sst s0  }
0x9: {  	[smem:$0x3FAC] =	sst s1  }
0xa: {  	[smem:$0x3FAD] =	sst s2  }
0xb: {  	[smem:$0x3FAE] =	sst s3  }
0xc: {  	[smem:$0x3FAF] =	sst s4  }
0xd: {  	[smem:$0x3FB0] =	sst s5  }
0xe: {  	[smem:$0x3FB1] =	sst s6  }
0xf: {  	[smem:$0x3FB2] =	sst s7  }
0x10: {  	[smem:$0x3FB3] =	sst s8  }
0x11: {  	[smem:$0x3FB4] =	sst s9;
	s0 =	simm.s32 @!p0 $0x0  }
0x12: {  	s1 =	sld [smem:$0x3F9A];
	s0 =	simm.s32 @p0 $0x1  }
0x13: {  	[smem:$0x3FB5] =	sst s0;
	s0 =	simm.s32 @!p1 $0x0  }
0x14: {  	s2 =	sld [smem:$0x3F99];
	s0 =	simm.s32 @p1 $0x1  }
0x15: {  	[smem:$0x3FB6] =	sst s0;
	s0 =	simm.s32 @!p2 $0x0  }
0x16: {  	s3 =	sld [smem:$0x3FDB];
	s0 =	simm.s32 @p2 $0x1  }
0x17: {  	s4 =	simm.s32 $0x1BF5;
	[smem:$0x3FB8] =	sst s0  }
0x18: {  	s0 =	sld [smem:$0x3F9B];
	_ =	swait.ge [sflag:s4], $0x0  }
0x19: {  	s7 =	sld [smem:$0x3F9C]  }
0x1a: {  	s8 =	sadd.s32 $0xFFFFE003, lr  }
0x1b: {  	s9 =	sadd.s32 $0xFFFFFEF7, lr;
	s5 =	simm.s32 $0xFFFFFFFF;
	p2 =	slt.u32 s8, $0xFFFFF086  }
0x1c: {  	p1 =	slt.u32 s9, $0xF7A;
	s5 =	simm.s32 @!p2 $0x0  }
0x1d: {  	s5 =	simm.s32 @p1 $0x1;
	p0 =	seq.s32 s7, s2  }
0x1e: {  	s7 =	smul.u32 @!p0 $0xF7A, s2;
	p2 =	seq.s32 @!p0 s5, $0x0  }
0x1f: {  	s9 =	smul.u32 $0xF7A, s1;
	s8 =	simm.s32 @!p0 $0x1BF5;
	p2 =	por !p2, p0  }
0x20: {  	[sflag:s8] =	ssyncset.s32 @!p0 $0xFFFFF086;
	s6 =	sadd.s32 @!p0 s3, s7;
	s7 =	simm.s32 @!p0 $0x108  }
0x21: {  	s3 =	sadd.s32 s3, s9;
	s6 =	sadd.s32 @!p0 $0x88, s6;
	s7 =	simm.s32 @p2 $0x1082  }
0x22: {  	[simem:s7], [sflag:s8] =	dma.local @!p0 [hbm:s6], $0xF7A  }
0x23: {  	s9 =	sor.u32 $0xD0000000, s2;
	s6 =	simm.s32 $0x108;
	_ =	swait.ge @!p0 [sflag:s8], $0x0  }
0x24: {  	s3 =	sadd.s32 $0x88, s3;
	s6 =	simm.s32 @!p1 $0x1082;
	[sflag:s4] =	ssyncset.s32 $0xFFFFF086  }
0x25: {  	[simem:s6], [sflag:s4] =	dma.local [hbm:s3], $0xF7A  }
0x26: {  	[smem:$0x3F9C] =	sst s1;
	(tag) =	ssettag s2;
	_ =	strace s9  }
0x27: {  	s1 =	sld [smem:$0x3FAC]  }
0x28: {  	s2 =	sld [smem:$0x3FAD]  }
0x29: {  	s4 =	sld [smem:$0x3FAF]  }
0x2a: {  	p0 =	seq.s32 s5, $0x0;
	s5 =	sld [smem:$0x3FB0]  }
0x2b: {  	s6 =	sld [smem:$0x3FB1]  }
0x2c: {  	s7 =	sld [smem:$0x3FB2]  }
0x2d: {  	s3 =	simm.s32 $0x108;
	s8 =	sld [smem:$0x3FB3]  }
0x2e: {  	s3 =	simm.s32 @!p0 $0x1082;
	s9 =	sld [smem:$0x3FB4]  }
0x2f: {  	lr =	sadd.s32 s0, s3;
	s0 =	sld [smem:$0x3FAB]  }
0x30: {  	s3 =	sld [smem:$0x3FAE]  }
0x31: {  	[smem:$0x3FB7] =	sst s10  }
0x32: {  	s10 =	sld [smem:$0x3FB5];
	_ =	sdelay $0x3  }
0x33: {  	p0 =	seq.s32 s10, $0x1;
	s10 =	sld [smem:$0x3FB7];
	_ =	sdelay $0x3  }
0x34: {  	[smem:$0x3FB7] =	sst s10  }
0x35: {  	s10 =	sld [smem:$0x3FB6];
	_ =	sdelay $0x3  }
0x36: {  	p1 =	seq.s32 s10, $0x1;
	s10 =	sld [smem:$0x3FB7];
	_ =	sdelay $0x3  }
0x37: {  	[smem:$0x3FB7] =	sst s10  }
0x38: {  	s10 =	sld [smem:$0x3FB8]  }
0x39: {  	_ = 	snop;
	(pc) =	sbr.ind lr, $3  }
0x3a: {  	_ = 	snop  }
0x3b: {  	_ = 	snop  }
0x3c: {  	p2 =	seq.s32 s10, $0x1;
	s10 =	sld [smem:$0x3FB7]  }
0x3d: {  	_ =	shalt  }
0x3e: {  	_ =	shalt  }
0x3f: {  	_ =	shalt  }
0x40: {  	_ =	shalt  }
0x41: {  	_ =	shalt  }
0x42: {  	_ =	shalt  }
0x43: {  	_ =	shalt  }
0x44: {  	_ =	shalt  }
0x45: {  	_ =	shalt  }
0x46: {  	_ =	shalt  }
0x47: {  	_ =	shalt  }
0x48: {  	_ =	shalt  }
0x49: {  	_ =	shalt  }
0x4a: {  	_ =	shalt  }
0x4b: {  	_ =	shalt  }
0x4c: {  	_ =	shalt  }
0x4d: {  	_ =	shalt  }
0x4e: {  	_ =	shalt  }
0x4f: {  	_ =	shalt  }
0x50: {  	_ =	shalt  }
0x51: {  	_ =	shalt  }
0x52: {  	_ =	shalt  }
0x53: {  	_ =	shalt  }
0x54: {  	_ =	shalt  }
0x55: {  	_ =	shalt  }
0x56: {  	_ =	shalt  }
0x57: {  	_ =	shalt  }
0x58: {  	_ =	shalt  }
0x59: {  	_ =	shalt  }
0x5a: {  	_ =	shalt  }
0x5b: {  	_ =	shalt  }
0x5c: {  	_ =	shalt  }
0x5d: {  	_ =	shalt  }
0x5e: {  	_ =	shalt  }
0x5f: {  	_ =	shalt  }
0x60: {  	_ =	shalt  }
0x61: {  	_ =	shalt  }
0x62: {  	_ =	shalt  }
0x63: {  	_ =	shalt  }
0x64: {  	_ =	shalt  }
0x65: {  	_ =	shalt  }
0x66: {  	_ =	shalt  }
0x67: {  	_ =	shalt  }
0x68: {  	_ =	shalt  }
0x69: {  	_ =	shalt  }
0x6a: {  	_ =	shalt  }
0x6b: {  	_ =	shalt  }
0x6c: {  	_ =	shalt  }
0x6d: {  	_ =	shalt  }
0x6e: {  	_ =	shalt  }
0x6f: {  	_ =	shalt  }
0x70: {  	_ =	shalt  }
0x71: {  	_ =	shalt  }
0x72: {  	_ =	shalt  }
0x73: {  	_ =	shalt  }
0x74: {  	_ =	shalt  }
0x75: {  	_ =	shalt  }
0x76: {  	_ =	shalt  }
0x77: {  	_ =	shalt  }
0x78: {  	_ =	shalt  }
0x79: {  	_ =	shalt  }
0x7a: {  	_ =	shalt  }
0x7b: {  	_ =	shalt  }
0x7c: {  	_ =	shalt  }
0x7d: {  	_ =	shalt  }
0x7e: {  	_ =	shalt  }
0x7f: {  	_ =	shalt  }
0x80: {  	_ =	shalt  }
0x81: {  	_ =	shalt  }
0x82: {  	_ =	shalt  }
0x83: {  	_ =	shalt  }
0x84: {  	_ =	shalt  }
0x85: {  	_ =	shalt  }
0x86: {  	_ =	shalt  }
0x87: {  	_ =	shalt  }
.Lfunc_end0:
.L_simem_size_0:
called_computation_lowered:
.L_overlay_start_0:
0x88: {  	s2 =	sld [smem:$0x3FD9]  }
0x89: {  	s3 =	sld [smem:$0x3FFE];
	_ =	sdelay $0x1  }
0x8a: {  	s1 =	srdreg.scid  }
0x8b: {  	s0 =	sand.u32 $0x1, s1  }
0x8c: {  	s14 =	sshll.u32 s0, $0xA;
	s2 =	sadd.s32 s3, s2  }
0x8d: {  	s2 =	sadd.s32 s2, s14  }
0x8e: {  	[smem:$0x3FC3] =	sst s2  }
0x8f: {  	_ = 	snop  }
0x90: {  	s2 =	sld [smem:$0x3FD0];
	_ =	sdelay $0x2  }
0x91: {  	s4 =	simm.s32 $0xA;
	s5 =	simm.s32 $0x10;
	s15 =	sld [smem:$0x3FC8]  }
0x92: {  	[smem:s5], [sflag:s4] =	dma.local [hbm:s2], $0x1  }
0x93: {  	_ =	swait.eq [sflag:s4], $0x1  }
0x94: {  	[sflag:s4] =	ssyncset.done $0x0  }
0x95: {  	s16 =	sld [smem:$0x10];
	[sflag:s4] =	ssyncadd.s32 $0xFFFFFFFF  }
0x96: {  	s17 =	sld [smem:$0x11];
	(tm) =	ssettm $0x1  }
0x97: {  	s18 =	sld [smem:$0x3FFB];
	_ =	sdelay $0x3  }
0x98: {  	_ =	strace s18  }
0x99: {  	s5 =	sld [smem:$0x3FFC];
	_ =	sdelay $0x3  }
0x9a: {  	_ =	strace s5  }
0x9b: {  	s5 =	sld [smem:$0x3FFD];
	_ =	sdelay $0x3  }
0x9c: {  	_ =	strace s5  }
0x9d: {  	_ =	strace $0x8FFFFFFF  }
0x9e: {  	s19 =	sld [smem:$0x3FDB];
	_ =	sdelay $0x1  }
0x9f: {  	s6 =	simm.s32 $_scs_section_size  }
0xa0: {  	s7 =	simm.s32 $_size__tile_overlayer_lowered;
	s8 =	simm.s32 $_tile_overlayer_lowered  }
0xa1: {  	s22 =	simm.s32 $0x1BFF;
	s21 =	sshll.u32 s8, $0x1;
	s5 =	sadd.s32 s6, s19  }
0xa2: {  	s9 =	simm.s32 $0x0;
	s20 =	sshll.u32 s7, $0x1;
	s7 =	sadd.s32 s21, s5  }
0xa3: {  	[timem:s9], [sflag:s22] =	dma.local [hbm:s7], s20  }
0xa4: {  	_ =	swait.ge [sflag:s22], s20  }
0xa5: {  	s6 =	ssub.s32 $0x0, s20;
	[sflag:s22] =	ssyncset.done $0x0  }
0xa6: {  	[sflag:s22] =	ssyncadd.s32 s6;
	_ =	sdelay $0x1  }
0xa7: {  	s23 =	simm.s32 $0x1B8B  }
0xa8: {  	_ =	swait.ge [sflag:s23], $0x1  }
0xa9: {  	[sflag:s23] =	ssyncset.done $0x0  }
0xaa: {  	s25 =	simm.s32 $0x1B8E;
	s24 =	sld [smem:$0x3FFE];
	[sflag:s23] =	ssyncadd.s32 $0xFFFFFFFF  }
0xab: {  	s26 =	simm.s32 $execute0_lowered;
	[smem:$0x3FD2] =	sst s25  }
0xac: {  	s7 =	sshll.u32 s26, $0x1;
	_ =	strace $0x80000046;
	[dreg:$0x1] =	wrdreg $0xFFFFFFFF  }
0xad: {  	s28 =	simm.s32 $_size_execute0_lowered;
	s5 =	sadd.s32 s5, s7;
	[dreg:$0x0] =	wrdreg $0x0  }
0xae: {  	s7 =	sshll.u32 s28, $0x1;
	[dreg:$0x2] =	wrdreg s5  }
0xaf: {  	[dreg:$0x3] =	wrdreg s7  }
0xb0: {  	[dreg:$0x4] =	wrdreg $0xC0  }
0xb1: {  	_ =	task [dreg:s9], $0x5FFFF  }
0xb2: {  	[dreg:$0x1] =	wrdreg $0xFFFFFFFF  }
0xb3: {  	[dreg:$0x0] =	wrdreg $0x60  }
0xb4: {  	[dreg:$0x2] =	wrdreg s24  }
0xb5: {  	[dreg:$0x3] =	wrdreg s15  }
0xb6: {  	[dreg:$0x4] =	wrdreg s16  }
0xb7: {  	[dreg:$0x5] =	wrdreg s17  }
0xb8: {  	[dreg:$0x6] =	wrdreg $0xF3000  }
0xb9: {  	[dreg:$0x7] =	wrdreg $0xF5780  }
0xba: {  	[dreg:$0x8] =	wrdreg $0x9  }
0xbb: {  	_ =	task.clear_ibuf [dreg:s9], $0x9FFFF;
	_ =	strace $0x90000046  }
0xbc: {  	s29 =	simm.s32 $0x9;
	_ =	strace $0x80000048  }
0xbd: {  	_ =	swait.ge [sflag:s29], $0x1  }
0xbe: {  	[sflag:s29] =	ssyncadd.s32 $0xFFFFFFFF  }
0xbf: {  	_ =	strace $0x90000048  }
0xc0: {  	_ =	sfence  }
0xc1: {  	s30 =	sld [smem:$0x0];
	_ =	sdelay $0x2  }
0xc2: {  	s31 =	sshll.u32 s1, $0xD;
	s1 =	sshrl.u32 s1, $0x2  }
0xc3: {  	s3 =	sand.u32 $0x4000, s31;
	s1 =	sadd.s32 s1, s30  }
0xc4: {  	s0 =	sor.u32 s3, s0;
	s1 =	sshll.u32 s1, $0x11  }
0xc5: {  	s0 =	sor.u32 s1, s0  }
0xc6: {  	s0 =	sadd.s32 $0x8F2B, s0  }
0xc7: {  	[sflag:s0] =	ssyncadd.remote.s32 $0x1  }
0xc8: {  	_ =	sfence.sel $0xFFFF  }
0xc9: {  	[dreg:$0x0] =	wrdreg $0xFFFFFFFF;
	(pc) =	sbr.abs _section_cstart, $3  }
0xca: {  	[dreg:$0x1] =	wrdreg $0xFFFFFFFF  }
0xcb: {  	_ =	task.clear_ibuf [dreg:s9], $0x2FFFF;
	_ =	strace $0x9FFFFFFF  }
0xcc: {  	(tm) =	ssettm $0x7FFFFFFF  }
0xcd: {  	_ =	shalt  }
tec
execute0_lowered:
.L_overlay_start_1:
0x0: {  	(tag) =	ssettag $0x1  }
0x1: {  	s0 =	rddreg [dreg:$0x0]  }
0x2: {  	s1 =	rddreg [dreg:$0x1]  }
0x3: {  	s2 =	rddreg [dreg:$0x2];
	s3 =	srdreg.scid  }
0x4: {  	s4 =	stileid.u32;
	s5 =	rddreg [dreg:$0x3];
	s28 =	simm.s32 $0x9  }
0x5: {  	s30 =	simm.s32 $0x1;
	s31 =	simm.s32 $0x2;
	s29 =	simm.s32 $0x5  }
0x6: {  	s7 =	sand.u32 $0x1, s3;
	s15 =	sshll.u32 s4, $0x1;
	s10 =	sadd.s32 $0x1000, s0  }
0x7: {  	s11 =	sadd.s32 $0x1A00, s0;
	s17 =	sadd.s32 $0x1010, s0;
	s18 =	smul.u32 $0x4E20, s4  }
0x8: {  	s0 =	sadd.s32 $0x1A02, s0;
	s25 =	smul.u32 $0x9C40, s4;
	s3 =	sor.u32 s7, s15  }
0x9: {  	p0 =	sne.s32 s4, $0x0;
	s8 =	smul.u32 $0x2710, s3;
	s3 =	simm.s32 $0x0  }
0xa: {  	s9 =	ssub.s32 $0x2, s7;
	s20 =	smul.u32 $0x2710, s7;
	[smem:$0x7FF] =	sst s3  }
0xb: {  	s16 =	sshrl.u32 s9, $0x1;
	_ =	strace $0x80000047;
	[dreg:$0x7] =	wrdreg s10  }
0xc: {  	s13 =	smul.u32 $0x4E20, s7;
	s9 =	ssub.s32 s9, s16;
	[dreg:$0x8] =	wrdreg s11  }
0xd: {  	s6 =	sand.u32 $0x7FE00, s8;
	[dreg:$0xa] =	wrdreg s17;
	s19 =	sand.u32 $0x70, s8  }
0xe: {  	s8 =	sshrl.u32 s8, $0x3;
	[dreg:$0xb] =	wrdreg s0;
	s6 =	smin.u32 s6, $0x4B800  }
0xf: {  	s15 =	smax.u32 s9, $0x1;
	s0 =	sadd.s32 s13, s25;
	s6 =	sshrl.u32 s6, $0x2  }
0x10: {  	s10 =	sor.u32 $0x4F00, s19;
	s21 =	sadd.s32 s2, s8;
	s6 =	sadd.s32 s1, s6  }
0x11: {  	s22 =	sadd.s32 s5, s8;
	[dreg:$0xc] =	wrdreg s21;
	s1 =	sadd.s32 $0x600, s6  }
0x12: {  	s23 =	sadd.s32 $0x270, s8;
	[dreg:$0x9] =	wrdreg s1;
	s1 =	sadd.s32 s20, s18  }
0x13: {  	[dreg:$0xd] =	wrdreg s22;
	s2 =	sadd.s32 s2, s23;
	s24 =	sand.u32 $0xFFE00, s1  }
0x14: {  	s14 =	sadd.s32 s5, s23;
	[dreg:$0xe] =	wrdreg s2;
	s2 =	smin.u32 s24, $0x4B800  }
0x15: {  	s23 =	simm.s32 $0x6;
	s24 =	simm.s32 $0x4;
	s26 =	sshll.u32 s2, $0x1  }
0x16: {  	s16 =	ssub.s32 s1, s2;
	s1 =	simm.s32 $0x7;
	s2 =	simm.s32 $0x0  }
0x17: {  	v0 =	vmov s10;
	s8 =	ssub.s32 s25, s26;
	s18 =	sadd.s32 $0x1300, s16;
	s20 =	ssub.s32 s0, s26  }
0x18: {  	s21 =	sadd.s32 $0x2680, s16;
	s25 =	simm.s32 $0x2780;
	s0 =	simm.s32 $0x3  }
0x19: {  	s26 =	simm.s32 $0x8;
	s19 =	sshll.u32 s18, $0x1;
	s22 =	sshll.u32 s21, $0x1  }
.LBB2_1:
0x1a: {  	s9 =	rddreg [dreg:$0x9]  }
0x1b: {  	s4 =	simm.s32 $0x4F00;
	s5 =	simm.s32 $0x7F00;
	s11 =	rddreg [dreg:$0x4]  }
0x1c: {  	[tilespmem:s4], [sflag:$0x3] =	stream.linear.gather [hbm4b:s6+s3], $0x3000, $0x38;
	[tilespmem:$0xF7F0] =	vst v63  }
0x1d: {  	s7 =	simm.s32 @!p0 $0x10;
	s10 =	simm.s32 @!p0 $0x1C01;
	s12 =	rddreg [dreg:$0x7]  }
0x1e: {  	[tilespmem:s5], [sflag:$0x8] =	stream.linear.gather [hbm4b:s9+s3], $0x2400, $0x38;
	[tilespmem:$0xF7F0] =	vst v63  }
0x1f: {  	s4 =	sshrl.u32 @!p0 s11, $0x3;
	s5 =	simm.s32 @!p0 $0x1;
	s9 =	simm.s32 @!p0 $0x20  }
0x20: {  	[spmem:s4@s7], [sflag:s10] =	dma.strided @!p0 [hbm:s12@s9], $0x4F0, s5, $0x10   }
0x21: {  	s12 =	rddreg [dreg:$0x5]  }
0x22: {  	s10 =	simm.s32 @!p0 $0x1C02;
	s17 =	rddreg [dreg:$0xa];
	s4 =	sshrl.u32 @!p0 s12, $0x3  }
0x23: {  	[spmem:s4@s7], [sflag:s10] =	dma.strided @!p0 [hbm:s17@s9], $0x4F0, s5, $0x10   }
0x24: {  	_ =	swait.ge @!p0 [sflag:s5], $0x4F0  }
0x25: {  	[sflag:s5] =	ssyncset.done @!p0 $0x0  }
0x26: {  	s4 =	simm.s32 @!p0 $0x2;
	[sflag:s5] =	ssyncadd.s32 @!p0 $0xFFFFFB10  }
0x27: {  	_ =	swait.ge @!p0 [sflag:s4], $0x4F0  }
0x28: {  	[sflag:s4] =	ssyncset.done @!p0 $0x0  }
0x29: {  	[sflag:s4] =	ssyncadd.s32 @!p0 $0xFFFFFB10  }
0x2a: {  	[bflag:$0x0] =	sbarrier.arrive $0xFFFF  }
0x2b: {  	[tilespmem:s3], [sflag:$0x1] =	stream.linear.gather [spmem:s11], $0x2780, $0x38;
	[tilespmem:$0xF7F0] =	vst v63  }
0x2c: {  	_ = 	snop  }
0x2d: {  	[tilespmem:s25], [sflag:$0x2] =	stream.linear.gather [spmem:s12], $0x2780, $0x38;
	[tilespmem:$0xF7F0] =	vst v63  }
0x2e: {  	s10 =	rddreg [dreg:$0x8];
	s11 =	simm.s32 $0xF200  }
0x2f: {  	[tilespmem:s11], [sflag:$0x9] =	stream.linear.gather [hbm4b:s10+s3], $0x10, $0x38;
	[tilespmem:$0xF7F0] =	vst v63  }
0x30: {  	_ =	swait.ge [sflag:s28], $0x10  }
0x31: {  	[sflag:s28] =	ssyncset.done $0x0  }
0x32: {  	s17 =	simm.s32 $0xF280;
	s12 =	rddreg [dreg:$0xb];
	[sflag:s28] =	ssyncadd.s32 $0xFFFFFFF0  }
0x33: {  	[tilespmem:s17], [sflag:$0x9] =	stream.linear.gather [hbm4b:s12+s3], $0x10, $0x38;
	[tilespmem:$0xF7F0] =	vst v63  }
0x34: {  	_ =	swait.ge [sflag:s28], $0x10  }
0x35: {  	[sflag:s28] =	ssyncset.done $0x0  }
0x36: {  	[sflag:s28] =	ssyncadd.s32 $0xFFFFFFF0  }
0x37: {  	v1 =	vld [tilespmem:$0xF200]  }
0x38: {  	v2 =	vld [tilespmem:$0xF280];
	_ =	swait.ge [sflag:s30], $0x2780  }
0x39: {  	[sflag:s30] =	ssyncset.done $0x0  }
0x3a: {  	[sflag:s30] =	ssyncadd.s32 $0xFFFFD880  }
0x3b: {  	_ =	swait.ge [sflag:s31], $0x2780  }
0x3c: {  	[sflag:s31] =	ssyncset.done $0x0  }
0x3d: {  	[sflag:s31] =	ssyncadd.s32 $0xFFFFD880  }
0x3e: {  	_ =	swait.ge [sflag:s0], $0x3000  }
0x3f: {  	s7 =	simm.s32 $0xA380;
	s5 =	simm.s32 $0xCB00;
	[sflag:s0] =	ssyncset.done $0x0  }
0x40: {  	s4 =	simm.s32 $0xFFFFFF00;
	s17 =	smov.u32 s8;
	[sflag:s0] =	ssyncadd.s32 $0xFFFFD000  }
.LBB2_2:
0x41: {  	s9 =	sadd.s32 s17, s13  }
0x42: {  	s10 =	sand.u32 $0xFFFFFF00, s9  }
0x43: {  	v3 =	vld.idx.msk [tilespmem:v0+s10+$0x0 ss:$0x1], $0xffff  }
0x44: {  	v4 =	vld.idx.msk [tilespmem:v0+s10+$0x80 ss:$0x1], $0xffff;
	_ =	sdelay $0x6  }
0x45: {  	v3 =	vld.idx.msk [tilespmem:v3+s3+$0x0], $0xffff  }
0x46: {  	s10 =	sadd.s32 s4, s16;
	v4 =	vld.idx.msk [tilespmem:v4+s25+$0x0], $0xffff  }
0x47: {  	s12 =	sadd.s32 $0x20, s9;
	s11 =	sadd.s32 $0x110, s10  }
0x48: {  	s12 =	sand.u32 $0xFFFFFF00, s12;
	s11 =	sand.u32 $0x70, s11  }
0x49: {  	s11 =	sor.u32 s11, s12  }
0x4a: {  	v5 =	vld [tilespmem:s11+$0x4F00]  }
0x4b: {  	v25 =	vld [tilespmem:s11+$0x4F80];
	v3 =	vadd.f32 v4, v3;
	_ =	sdelay $0x1  }
0x4c: {  	v3 =	vadd.f32 v3, v2;
	_ =	sdelay $0x1  }
0x4d: {  	v3 =	vsub.f32 $0.0e+00, v3;
	_ =	sdelay $0x1  }
0x4e: {  	v3 =	vmul.f32 $1.442695020e+00, v3  }
0x4f: {  	v5 =	vld.idx.msk [tilespmem:v5+s3+$0x0], $0xffff  }
0x50: {  	(erf) = vpow2.f32 v3;
	v3 =	vld.idx.msk [tilespmem:v25+s25+$0x0], $0xffff  }
0x51: {  	s12 =	sadd.s32 $0x40, s9;
	s11 =	sadd.s32 $0x120, s10  }
0x52: {  	s12 =	sand.u32 $0xFFFFFF00, s12;
	s11 =	sand.u32 $0x70, s11  }
0x53: {  	s11 =	sor.u32 s11, s12  }
0x54: {  	v26 =	vld [tilespmem:s11+$0x4F00]  }
0x55: {  	v27 =	vld [tilespmem:s11+$0x4F80];
	v3 =	vadd.f32 v3, v5;
	_ =	sdelay $0x1  }
0x56: {  	v3 =	vadd.f32 v3, v2;
	_ =	sdelay $0x1  }
0x57: {  	v6 =	vpop (erf);
	v3 =	vsub.f32 $0.0e+00, v3  }
0x58: {  	v6 =	vadd.f32 $1.000000000e+00, v6  }
0x59: {  	v3 =	vmul.f32 $1.442695020e+00, v3  }
0x5a: {  	v4 =	vld.idx.msk [tilespmem:v26+s3+$0x0], $0xffff;
	(erf) = vrcp.f32 v6  }
0x5b: {  	(erf) = vpow2.f32 v3;
	v3 =	vld.idx.msk [tilespmem:v27+s25+$0x0], $0xffff;
	_ =	sdelay $0x1  }
0x5c: {  	s12 =	sadd.s32 $0x60, s9;
	s11 =	sadd.s32 $0x130, s10  }
0x5d: {  	s12 =	sand.u32 $0xFFFFFF00, s12;
	s11 =	sand.u32 $0x70, s11  }
0x5e: {  	s11 =	sor.u32 s11, s12  }
0x5f: {  	v28 =	vld [tilespmem:s11+$0x4F00];
	v3 =	vadd.f32 v3, v4  }
0x60: {  	v29 =	vld [tilespmem:s11+$0x4F80];
	_ =	sdelay $0x1  }
0x61: {  	v30 =	vadd.f32 v3, v2  }
0x62: {  	v3 =	vpop (erf)  }
0x63: {  	v6 =	vsub.f32 $0.0e+00, v30;
	v7 =	vpop (erf)  }
0x64: {  	v7 =	vadd.f32 $1.000000000e+00, v7  }
0x65: {  	v6 =	vmul.f32 $1.442695020e+00, v6  }
0x66: {  	v5 =	vld.idx.msk [tilespmem:v28+s3+$0x0], $0xffff;
	(erf) = vrcp.f32 v7  }
0x67: {  	v4 =	vld.idx.msk [tilespmem:v29+s25+$0x0], $0xffff;
	(erf) = vpow2.f32 v6  }
0x68: {  	s12 =	sadd.s32 $0x80, s9;
	s11 =	sadd.s32 $0x140, s10  }
0x69: {  	s12 =	sand.u32 $0xFFFFFF00, s12;
	s11 =	sand.u32 $0x70, s11  }
0x6a: {  	s11 =	sor.u32 s11, s12  }
0x6b: {  	v32 =	vld [tilespmem:s11+$0x4F80]  }
0x6c: {  	v31 =	vld [tilespmem:s11+$0x4F00];
	v4 =	vadd.f32 v4, v5;
	_ =	sdelay $0x1  }
0x6d: {  	v33 =	vadd.f32 v4, v2  }
0x6e: {  	v34 =	vpop (erf)  }
0x6f: {  	v7 =	vsub.f32 $0.0e+00, v33;
	v8 =	vpop (erf)  }
0x70: {  	v8 =	vadd.f32 $1.000000000e+00, v8  }
0x71: {  	v7 =	vmul.f32 $1.442695020e+00, v7  }
0x72: {  	v5 =	vld.idx.msk [tilespmem:v32+s25+$0x0], $0xffff;
	(erf) = vrcp.f32 v8  }
0x73: {  	v6 =	vld.idx.msk [tilespmem:v31+s3+$0x0], $0xffff;
	(erf) = vpow2.f32 v7  }
0x74: {  	s12 =	sadd.s32 $0xA0, s9;
	s11 =	sadd.s32 $0x150, s10  }
0x75: {  	s12 =	sand.u32 $0xFFFFFF00, s12;
	s11 =	sand.u32 $0x70, s11  }
0x76: {  	s11 =	sor.u32 s11, s12  }
0x77: {  	v36 =	vld [tilespmem:s11+$0x4F80]  }
0x78: {  	v35 =	vld [tilespmem:s11+$0x4F00];
	v5 =	vadd.f32 v5, v6;
	_ =	sdelay $0x1  }
0x79: {  	v37 =	vadd.f32 v5, v2  }
0x7a: {  	v38 =	vpop (erf)  }
0x7b: {  	v8 =	vsub.f32 $0.0e+00, v37;
	v9 =	vpop (erf)  }
0x7c: {  	v9 =	vadd.f32 $1.000000000e+00, v9  }
0x7d: {  	v8 =	vmul.f32 $1.442695020e+00, v8  }
0x7e: {  	v6 =	vld.idx.msk [tilespmem:v36+s25+$0x0], $0xffff;
	(erf) = vrcp.f32 v9  }
0x7f: {  	v7 =	vld.idx.msk [tilespmem:v35+s3+$0x0], $0xffff;
	(erf) = vpow2.f32 v8  }
0x80: {  	s12 =	sadd.s32 $0xC0, s9;
	s11 =	sadd.s32 $0x160, s10  }
0x81: {  	s12 =	sand.u32 $0xFFFFFF00, s12;
	s11 =	sand.u32 $0x70, s11  }
0x82: {  	s11 =	sor.u32 s11, s12  }
0x83: {  	v40 =	vld [tilespmem:s11+$0x4F80]  }
0x84: {  	v39 =	vld [tilespmem:s11+$0x4F00];
	v6 =	vadd.f32 v6, v7;
	_ =	sdelay $0x1  }
0x85: {  	v41 =	vadd.f32 v6, v2  }
0x86: {  	v42 =	vpop (erf)  }
0x87: {  	v9 =	vsub.f32 $0.0e+00, v41;
	v10 =	vpop (erf)  }
0x88: {  	v10 =	vadd.f32 $1.000000000e+00, v10  }
0x89: {  	v9 =	vmul.f32 $1.442695020e+00, v9  }
0x8a: {  	v7 =	vld.idx.msk [tilespmem:v40+s25+$0x0], $0xffff;
	(erf) = vrcp.f32 v10  }
0x8b: {  	v8 =	vld.idx.msk [tilespmem:v39+s3+$0x0], $0xffff;
	(erf) = vpow2.f32 v9  }
0x8c: {  	s12 =	sadd.s32 $0xE0, s9;
	s11 =	sadd.s32 $0x170, s10  }
0x8d: {  	s12 =	sand.u32 $0xFFFFFF00, s12;
	s11 =	sand.u32 $0x70, s11  }
0x8e: {  	s11 =	sor.u32 s11, s12  }
0x8f: {  	v44 =	vld [tilespmem:s11+$0x4F80]  }
0x90: {  	v43 =	vld [tilespmem:s11+$0x4F00];
	v7 =	vadd.f32 v7, v8;
	_ =	sdelay $0x1  }
0x91: {  	v45 =	vadd.f32 v7, v2  }
0x92: {  	v46 =	vpop (erf)  }
0x93: {  	v10 =	vsub.f32 $0.0e+00, v45;
	v11 =	vpop (erf)  }
0x94: {  	v11 =	vadd.f32 $1.000000000e+00, v11  }
0x95: {  	v10 =	vmul.f32 $1.442695020e+00, v10  }
0x96: {  	v8 =	vld.idx.msk [tilespmem:v44+s25+$0x0], $0xffff;
	(erf) = vrcp.f32 v11  }
0x97: {  	v9 =	vld.idx.msk [tilespmem:v43+s3+$0x0], $0xffff;
	(erf) = vpow2.f32 v10;
	_ =	sdelay $0x1  }
0x98: {  	s12 =	sadd.s32 $0x100, s9  }
0x99: {  	s11 =	sand.u32 $0xFFFFFF00, s12  }
0x9a: {  	v48 =	vld.idx.msk [tilespmem:v0+s11+$0x80 ss:$0x1], $0xffff  }
0x9b: {  	v47 =	vld.idx.msk [tilespmem:v0+s11+$0x0 ss:$0x1], $0xffff;
	v8 =	vadd.f32 v8, v9;
	_ =	sdelay $0x1  }
0x9c: {  	v49 =	vadd.f32 v8, v2  }
0x9d: {  	v50 =	vpop (erf)  }
0x9e: {  	v11 =	vsub.f32 $0.0e+00, v49;
	v12 =	vpop (erf)  }
0x9f: {  	v12 =	vadd.f32 $1.000000000e+00, v12  }
0xa0: {  	v11 =	vmul.f32 $1.442695020e+00, v11  }
0xa1: {  	v9 =	vld.idx.msk [tilespmem:v48+s25+$0x0], $0xffff;
	(erf) = vrcp.f32 v12  }
0xa2: {  	v10 =	vld.idx.msk [tilespmem:v47+s3+$0x0], $0xffff;
	(erf) = vpow2.f32 v11  }
0xa3: {  	s12 =	sadd.s32 $0x120, s9;
	s11 =	sadd.s32 $0x190, s10  }
0xa4: {  	s12 =	sand.u32 $0xFFFFFF00, s12;
	s11 =	sand.u32 $0x70, s11  }
0xa5: {  	s11 =	sor.u32 s11, s12  }
0xa6: {  	v52 =	vld [tilespmem:s11+$0x4F80]  }
0xa7: {  	v51 =	vld [tilespmem:s11+$0x4F00];
	v9 =	vadd.f32 v9, v10;
	_ =	sdelay $0x1  }
0xa8: {  	v53 =	vadd.f32 v9, v2  }
0xa9: {  	v54 =	vpop (erf)  }
0xaa: {  	v12 =	vsub.f32 $0.0e+00, v53;
	v13 =	vpop (erf)  }
0xab: {  	v13 =	vadd.f32 $1.000000000e+00, v13  }
0xac: {  	v12 =	vmul.f32 $1.442695020e+00, v12  }
0xad: {  	v10 =	vld.idx.msk [tilespmem:v52+s25+$0x0], $0xffff;
	(erf) = vrcp.f32 v13  }
0xae: {  	v11 =	vld.idx.msk [tilespmem:v51+s3+$0x0], $0xffff;
	(erf) = vpow2.f32 v12  }
0xaf: {  	s12 =	sadd.s32 $0x140, s9;
	s11 =	sadd.s32 $0x1A0, s10  }
0xb0: {  	s12 =	sand.u32 $0xFFFFFF00, s12;
	s11 =	sand.u32 $0x70, s11  }
0xb1: {  	s11 =	sor.u32 s11, s12  }
0xb2: {  	v56 =	vld [tilespmem:s11+$0x4F80]  }
0xb3: {  	v55 =	vld [tilespmem:s11+$0x4F00];
	v10 =	vadd.f32 v10, v11;
	_ =	sdelay $0x1  }
0xb4: {  	v57 =	vadd.f32 v10, v2  }
0xb5: {  	v58 =	vpop (erf)  }
0xb6: {  	v13 =	vsub.f32 $0.0e+00, v57;
	v14 =	vpop (erf)  }
0xb7: {  	v14 =	vadd.f32 $1.000000000e+00, v14  }
0xb8: {  	v13 =	vmul.f32 $1.442695020e+00, v13  }
0xb9: {  	v11 =	vld.idx.msk [tilespmem:v56+s25+$0x0], $0xffff;
	(erf) = vrcp.f32 v14  }
0xba: {  	v12 =	vld.idx.msk [tilespmem:v55+s3+$0x0], $0xffff;
	(erf) = vpow2.f32 v13  }
0xbb: {  	s12 =	sadd.s32 $0x160, s9;
	s11 =	sadd.s32 $0x1B0, s10  }
0xbc: {  	s12 =	sand.u32 $0xFFFFFF00, s12;
	s11 =	sand.u32 $0x70, s11  }
0xbd: {  	s11 =	sor.u32 s11, s12  }
0xbe: {  	v60 =	vld [tilespmem:s11+$0x4F80]  }
0xbf: {  	v59 =	vld [tilespmem:s11+$0x4F00];
	v11 =	vadd.f32 v11, v12;
	_ =	sdelay $0x1  }
0xc0: {  	v11 =	vadd.f32 v11, v2  }
0xc1: {  	v14 =	vpop (erf)  }
0xc2: {  	v11 =	vsub.f32 $0.0e+00, v11;
	v15 =	vpop (erf)  }
0xc3: {  	v15 =	vadd.f32 $1.000000000e+00, v15  }
0xc4: {  	v11 =	vmul.f32 $1.442695020e+00, v11  }
0xc5: {  	v61 =	vld.idx.msk [tilespmem:v60+s25+$0x0], $0xffff;
	(erf) = vrcp.f32 v15  }
0xc6: {  	v13 =	vld.idx.msk [tilespmem:v59+s3+$0x0], $0xffff;
	(erf) = vpow2.f32 v11  }
0xc7: {  	s12 =	sadd.s32 $0x180, s9;
	s11 =	sadd.s32 $0x1C0, s10  }
0xc8: {  	s12 =	sand.u32 $0xFFFFFF00, s12;
	s11 =	sand.u32 $0x70, s11  }
0xc9: {  	s11 =	sor.u32 s11, s12  }
0xca: {  	v63 =	vld [tilespmem:s11+$0x4F80]  }
0xcb: {  	v62 =	vld [tilespmem:s11+$0x4F00];
	v11 =	vadd.f32 v61, v13;
	_ =	sdelay $0x1  }
0xcc: {  	v11 =	vadd.f32 v11, v2  }
0xcd: {  	v15 =	vpop (erf)  }
0xce: {  	v11 =	vsub.f32 $0.0e+00, v11;
	v16 =	vpop (erf)  }
0xcf: {  	v16 =	vadd.f32 $1.000000000e+00, v16  }
0xd0: {  	v11 =	vmul.f32 $1.442695020e+00, v11  }
0xd1: {  	v19 =	vld.idx.msk [tilespmem:v63+s25+$0x0], $0xffff;
	(erf) = vrcp.f32 v16  }
0xd2: {  	v12 =	vld.idx.msk [tilespmem:v62+s3+$0x0], $0xffff;
	(erf) = vpow2.f32 v11  }
0xd3: {  	s12 =	sadd.s32 $0x1A0, s9;
	s11 =	sadd.s32 $0x1D0, s10  }
0xd4: {  	s12 =	sand.u32 $0xFFFFFF00, s12;
	s11 =	sand.u32 $0x70, s11  }
0xd5: {  	s11 =	sor.u32 s11, s12  }
0xd6: {  	v21 =	vld [tilespmem:s11+$0x4F80]  }
0xd7: {  	v20 =	vld [tilespmem:s11+$0x4F00];
	v11 =	vadd.f32 v19, v12;
	_ =	sdelay $0x1  }
0xd8: {  	v11 =	vadd.f32 v11, v2  }
0xd9: {  	v16 =	vpop (erf)  }
0xda: {  	v11 =	vsub.f32 $0.0e+00, v11;
	v17 =	vpop (erf)  }
0xdb: {  	v17 =	vadd.f32 $1.000000000e+00, v17  }
0xdc: {  	v11 =	vmul.f32 $1.442695020e+00, v11  }
0xdd: {  	v22 =	vld.idx.msk [tilespmem:v21+s25+$0x0], $0xffff;
	(erf) = vrcp.f32 v17  }
0xde: {  	v13 =	vld.idx.msk [tilespmem:v20+s3+$0x0], $0xffff;
	(erf) = vpow2.f32 v11  }
0xdf: {  	s12 =	sadd.s32 $0x1C0, s9;
	s11 =	sadd.s32 $0x1E0, s10  }
0xe0: {  	s12 =	sand.u32 $0xFFFFFF00, s12;
	s11 =	sand.u32 $0x70, s11  }
0xe1: {  	s11 =	sor.u32 s11, s12  }
0xe2: {  	v24 =	vld [tilespmem:s11+$0x4F80]  }
0xe3: {  	v23 =	vld [tilespmem:s11+$0x4F00];
	v11 =	vadd.f32 v22, v13;
	_ =	sdelay $0x1  }
0xe4: {  	v11 =	vadd.f32 v11, v2  }
0xe5: {  	v17 =	vpop (erf)  }
0xe6: {  	v11 =	vsub.f32 $0.0e+00, v11;
	v18 =	vpop (erf)  }
0xe7: {  	v18 =	vadd.f32 $1.000000000e+00, v18  }
0xe8: {  	v11 =	vmul.f32 $1.442695020e+00, v11  }
0xe9: {  	v25 =	vld.idx.msk [tilespmem:v24+s25+$0x0], $0xffff;
	(erf) = vrcp.f32 v18  }
0xea: {  	v12 =	vld.idx.msk [tilespmem:v23+s3+$0x0], $0xffff;
	(erf) = vpow2.f32 v11  }
0xeb: {  	s9 =	sadd.s32 $0x1E0, s9;
	s10 =	sadd.s32 $0x1F0, s10  }
0xec: {  	s9 =	sand.u32 $0xFFFFFF00, s9;
	s10 =	sand.u32 $0x70, s10  }
0xed: {  	s9 =	sor.u32 s10, s9  }
0xee: {  	v27 =	vld [tilespmem:s9+$0x4F80]  }
0xef: {  	v26 =	vld [tilespmem:s9+$0x4F00];
	v11 =	vadd.f32 v25, v12;
	_ =	sdelay $0x1  }
0xf0: {  	v11 =	vadd.f32 v11, v2  }
0xf1: {  	v18 =	vpop (erf)  }
0xf2: {  	v11 =	vsub.f32 $0.0e+00, v11;
	v19 =	vpop (erf)  }
0xf3: {  	v19 =	vadd.f32 $1.000000000e+00, v19  }
0xf4: {  	v11 =	vmul.f32 $1.442695020e+00, v11  }
0xf5: {  	v28 =	vld.idx.msk [tilespmem:v27+s25+$0x0], $0xffff;
	(erf) = vrcp.f32 v19  }
0xf6: {  	v13 =	vld.idx.msk [tilespmem:v26+s3+$0x0], $0xffff;
	(erf) = vpow2.f32 v11;
	_ =	sdelay $0x4  }
0xf7: {  	v11 =	vadd.f32 v28, v13  }
0xf8: {  	v30 =	vmul.f32 v34, v1  }
0xf9: {  	v11 =	vadd.f32 v11, v2  }
0xfa: {  	v29 =	vmul.f32 v3, v1;
	[tilespmem:s5+$0xFFFFFF80] =	vst v3;
	v31 =	vadd.f32 $1.000000000e+00, v30;
	v32 =	vmul.f32 v38, v1;
	v3 =	vpop (erf)  }
0xfb: {  	[tilespmem:s5+$0xFFFFFF90] =	vst v34;
	v11 =	vsub.f32 $0.0e+00, v11;
	v33 =	vpop (erf)  }
0xfc: {  	[tilespmem:s7+$0xFFFFFF90] =	vst v31;
	v35 =	vadd.f32 $1.000000000e+00, v32;
	v36 =	vmul.f32 v42, v1;
	v34 =	vadd.f32 $1.000000000e+00, v33  }
0xfd: {  	[tilespmem:s5+$0xFFFFFFA0] =	vst v38;
	v11 =	vmul.f32 $1.442695020e+00, v11  }
0xfe: {  	[tilespmem:s7+$0xFFFFFFA0] =	vst v35;
	v37 =	vadd.f32 $1.000000000e+00, v36;
	v38 =	vmul.f32 v46, v1;
	(erf) = vrcp.f32 v34  }
0xff: {  	[tilespmem:s5+$0xFFFFFFB0] =	vst v42;
	(erf) = vpow2.f32 v11  }
0x100: {  	[tilespmem:s7+$0xFFFFFFB0] =	vst v37;
	v39 =	vadd.f32 $1.000000000e+00, v38;
	v40 =	vmul.f32 v50, v1  }
0x101: {  	[tilespmem:s5+$0xFFFFFFC0] =	vst v46  }
0x102: {  	[tilespmem:s7+$0xFFFFFFC0] =	vst v39;
	v41 =	vadd.f32 $1.000000000e+00, v40;
	v42 =	vmul.f32 v54, v1  }
0x103: {  	[tilespmem:s5+$0xFFFFFFD0] =	vst v50  }
0x104: {  	[tilespmem:s7+$0xFFFFFFD0] =	vst v41;
	v43 =	vadd.f32 $1.000000000e+00, v42;
	v44 =	vmul.f32 v58, v1  }
0x105: {  	[tilespmem:s5+$0xFFFFFFE0] =	vst v54  }
0x106: {  	[tilespmem:s7+$0xFFFFFFE0] =	vst v43;
	v46 =	vadd.f32 $1.000000000e+00, v44;
	v47 =	vmul.f32 v14, v1  }
0x107: {  	[tilespmem:s5+$0xFFFFFFF0] =	vst v58;
	v45 =	vpop (erf)  }
0x108: {  	[tilespmem:s7+$0xFFFFFFF0] =	vst v46;
	v49 =	vadd.f32 $1.000000000e+00, v47;
	v50 =	vmul.f32 v15, v1;
	v48 =	vpop (erf)  }
0x109: {  	[tilespmem:s5+$0x0] =	vst v14;
	v7 =	vadd.f32 $1.000000000e+00, v48  }
0x10a: {  	[tilespmem:s7+$0x0] =	vst v49;
	v51 =	vadd.f32 $1.000000000e+00, v50;
	v52 =	vmul.f32 v16, v1  }
0x10b: {  	[tilespmem:s5+$0x10] =	vst v15;
	(erf) = vrcp.f32 v7  }
0x10c: {  	[tilespmem:s7+$0x10] =	vst v51;
	v53 =	vadd.f32 $1.000000000e+00, v52;
	v54 =	vmul.f32 v17, v1  }
0x10d: {  	[tilespmem:s5+$0x20] =	vst v16  }
0x10e: {  	[tilespmem:s7+$0x20] =	vst v53;
	v55 =	vadd.f32 $1.000000000e+00, v54  }
0x10f: {  	[tilespmem:s5+$0x30] =	vst v17;
	v12 =	vadd.f32 $1.000000000e+00, v29;
	v56 =	vmul.f32 v18, v1  }
0x110: {  	[tilespmem:s7+$0x30] =	vst v55  }
0x111: {  	[tilespmem:s7+$0xFFFFFF80] =	vst v12;
	v57 =	vadd.f32 $1.000000000e+00, v56;
	v58 =	vmul.f32 v3, v1  }
0x112: {  	[tilespmem:s5+$0x40] =	vst v18  }
0x113: {  	s4 =	sadd.s32 $0x100, s4;
	[tilespmem:s7+$0x40] =	vst v57;
	v59 =	vadd.f32 $1.000000000e+00, v58;
	v60 =	vmul.f32 v45, v1  }
0x114: {  	p1 =	slt.u32 s4, $0x1200;
	[tilespmem:s5+$0x50] =	vst v3;
	v3 =	vpop (erf)  }
.Ltmp0:
0x115: {  	[tilespmem:s7+$0x50] =	vst v59;
	v61 =	vadd.f32 $1.000000000e+00, v60;
	v62 =	vmul.f32 v3, v1;
	(pc) =	sbr.rel @p1 .LBB2_2-.Ltmp0, $4  }
0x116: {  	[tilespmem:s5+$0x60] =	vst v45  }
0x117: {  	[tilespmem:s7+$0x60] =	vst v61;
	v63 =	vadd.f32 $1.000000000e+00, v62  }
0x118: {  	s17 =	sadd.s32 $0x200, s17;
	s10 =	simm.s32 $0xB600;
	s9 =	simm.s32 $0x12F0;
	[tilespmem:s5+$0x70] =	vst v3  }
0x119: {  	s11 =	simm.s32 $0xDD80;
	s5 =	sadd.s32 $0x100, s5;
	[tilespmem:s7+$0x70] =	vst v63;
	s7 =	sadd.s32 $0x100, s7  }
0x11a: {  	s4 =	smov.u32 s19  }
.LBB2_4:
0x11b: {  	s5 =	sadd.s32 s9, s18  }
0x11c: {  	s5 =	sadd.s32 $0xFFFFED10, s5  }
0x11d: {  	s7 =	sand.u32 $0xFFFFFF00, s4;
	s5 =	sand.u32 $0x70, s5  }
0x11e: {  	s5 =	sor.u32 s5, s7  }
0x11f: {  	v3 =	vld [tilespmem:s5+$0x4F00]  }
0x120: {  	v4 =	vld [tilespmem:s5+$0x4F80];
	_ =	sdelay $0x6  }
0x121: {  	v3 =	vld.idx.msk [tilespmem:v3+s3+$0x0], $0xffff  }
0x122: {  	v4 =	vld.idx.msk [tilespmem:v4+s25+$0x0], $0xffff;
	_ =	sdelay $0x4  }
0x123: {  	v3 =	vadd.f32 v4, v3;
	_ =	sdelay $0x1  }
0x124: {  	v3 =	vadd.f32 v3, v2;
	_ =	sdelay $0x1  }
0x125: {  	v3 =	vsub.f32 $0.0e+00, v3;
	_ =	sdelay $0x1  }
0x126: {  	v3 =	vmul.f32 $1.442695020e+00, v3;
	_ =	sdelay $0x1  }
0x127: {  	(erf) = vpow2.f32 v3;
	_ =	sdelay $0x8  }
0x128: {  	v3 =	vpop (erf)  }
0x129: {  	v3 =	vadd.f32 $1.000000000e+00, v3;
	_ =	sdelay $0x1  }
0x12a: {  	(erf) = vrcp.f32 v3;
	_ =	sdelay $0x7  }
0x12b: {  	s9 =	sadd.s32 $0x10, s9  }
0x12c: {  	p1 =	slt.u32 s9, $0x1370;
	v3 =	vpop (erf)  }
.Ltmp1:
0x12d: {  	v63 =	vmul.f32 v3, v1;
	(pc) =	sbr.rel @p1 .LBB2_4-.Ltmp1, $4  }
0x12e: {  	_ = 	snop  }
0x12f: {  	v4 =	vadd.f32 $1.000000000e+00, v63  }
0x130: {  	[tilespmem:s11+$0x0] =	vst v3  }
0x131: {  	s4 =	sadd.s32 $0x20, s4;
	s11 =	sadd.s32 $0x10, s11;
	[tilespmem:s10+$0x0] =	vst v4;
	s10 =	sadd.s32 $0x10, s10  }
0x132: {  	s4 =	rddreg [dreg:$0xc];
	s5 =	simm.s32 $0xA300  }
0x133: {  	[hbm4b:s4+s3] =	stream.linear.scatter [tilespmem:s5], [sflag:$0x4], $0x1380, $0x38;
	[tilespmem:$0xF7F0] =	vst v63  }
0x134: {  	s12 =	rddreg [dreg:$0xd];
	s17 =	simm.s32 $0xCA80  }
0x135: {  	[hbm4b:s12+s3] =	stream.linear.scatter [tilespmem:s17], [sflag:$0x5], $0x1380, $0x38;
	[tilespmem:$0xF7F0] =	vst v63  }
0x136: {  	_ =	swait.ge [sflag:s26], $0x2400  }
0x137: {  	s7 =	simm.s32 $0xB770;
	s4 =	simm.s32 $0x1280;
	[sflag:s26] =	ssyncset.done $0x0  }
0x138: {  	s5 =	simm.s32 $0xDEF0;
	s17 =	smov.u32 s20;
	[sflag:s26] =	ssyncadd.s32 $0xFFFFDC00  }
.LBB2_6:
0x139: {  	s9 =	sadd.s32 $0x2700, s17  }
0x13a: {  	s9 =	sand.u32 $0xFFFFFF00, s9  }
0x13b: {  	v3 =	vld.idx.msk [tilespmem:v0+s9+$0x0 ss:$0x1], $0xffff  }
0x13c: {  	v4 =	vld.idx.msk [tilespmem:v0+s9+$0x80 ss:$0x1], $0xffff;
	_ =	sdelay $0x6  }
0x13d: {  	v3 =	vld.idx.msk [tilespmem:v3+s3+$0x0], $0xffff  }
0x13e: {  	s9 =	sadd.s32 s4, s16;
	v4 =	vld.idx.msk [tilespmem:v4+s25+$0x0], $0xffff  }
0x13f: {  	s11 =	sadd.s32 $0x2720, s17;
	s10 =	sadd.s32 $0x110, s9  }
0x140: {  	s11 =	sand.u32 $0xFFFFFF00, s11;
	s10 =	sand.u32 $0x70, s10  }
0x141: {  	s10 =	sor.u32 s10, s11  }
0x142: {  	v5 =	vld [tilespmem:s10+$0x4F00]  }
0x143: {  	v25 =	vld [tilespmem:s10+$0x4F80];
	v3 =	vadd.f32 v4, v3;
	_ =	sdelay $0x1  }
0x144: {  	v3 =	vadd.f32 v3, v2;
	_ =	sdelay $0x1  }
0x145: {  	v3 =	vsub.f32 $0.0e+00, v3;
	_ =	sdelay $0x1  }
0x146: {  	v3 =	vmul.f32 $1.442695020e+00, v3  }
0x147: {  	v5 =	vld.idx.msk [tilespmem:v5+s3+$0x0], $0xffff  }
0x148: {  	(erf) = vpow2.f32 v3;
	v3 =	vld.idx.msk [tilespmem:v25+s25+$0x0], $0xffff  }
0x149: {  	s12 =	sadd.s32 $0x2740, s17;
	s11 =	sadd.s32 $0x120, s9  }
0x14a: {  	s10 =	sand.u32 $0x70, s11;
	s11 =	sand.u32 $0xFFFFFF00, s12  }
0x14b: {  	s10 =	sor.u32 s10, s11  }
0x14c: {  	v26 =	vld [tilespmem:s10+$0x4F00]  }
0x14d: {  	v27 =	vld [tilespmem:s10+$0x4F80];
	v3 =	vadd.f32 v3, v5;
	_ =	sdelay $0x1  }
0x14e: {  	v3 =	vadd.f32 v3, v2;
	_ =	sdelay $0x1  }
0x14f: {  	v6 =	vpop (erf);
	v3 =	vsub.f32 $0.0e+00, v3  }
0x150: {  	v6 =	vadd.f32 $1.000000000e+00, v6  }
0x151: {  	v3 =	vmul.f32 $1.442695020e+00, v3  }
0x152: {  	v4 =	vld.idx.msk [tilespmem:v26+s3+$0x0], $0xffff;
	(erf) = vrcp.f32 v6  }
0x153: {  	(erf) = vpow2.f32 v3;
	v3 =	vld.idx.msk [tilespmem:v27+s25+$0x0], $0xffff;
	_ =	sdelay $0x1  }
0x154: {  	s12 =	sadd.s32 $0x2760, s17;
	s11 =	sadd.s32 $0x130, s9  }
0x155: {  	s10 =	sand.u32 $0x70, s11;
	s11 =	sand.u32 $0xFFFFFF00, s12  }
0x156: {  	s10 =	sor.u32 s10, s11  }
0x157: {  	v28 =	vld [tilespmem:s10+$0x4F00];
	v3 =	vadd.f32 v3, v4  }
0x158: {  	v29 =	vld [tilespmem:s10+$0x4F80];
	_ =	sdelay $0x1  }
0x159: {  	v30 =	vadd.f32 v3, v2  }
0x15a: {  	v3 =	vpop (erf)  }
0x15b: {  	v6 =	vsub.f32 $0.0e+00, v30;
	v7 =	vpop (erf)  }
0x15c: {  	v7 =	vadd.f32 $1.000000000e+00, v7  }
0x15d: {  	v6 =	vmul.f32 $1.442695020e+00, v6  }
0x15e: {  	v5 =	vld.idx.msk [tilespmem:v28+s3+$0x0], $0xffff;
	(erf) = vrcp.f32 v7  }
0x15f: {  	v4 =	vld.idx.msk [tilespmem:v29+s25+$0x0], $0xffff;
	(erf) = vpow2.f32 v6  }
0x160: {  	s12 =	sadd.s32 $0x2780, s17;
	s11 =	sadd.s32 $0x140, s9  }
0x161: {  	s10 =	sand.u32 $0x70, s11;
	s11 =	sand.u32 $0xFFFFFF00, s12  }
0x162: {  	s10 =	sor.u32 s10, s11  }
0x163: {  	v32 =	vld [tilespmem:s10+$0x4F80]  }
0x164: {  	v31 =	vld [tilespmem:s10+$0x4F00];
	v4 =	vadd.f32 v4, v5;
	_ =	sdelay $0x1  }
0x165: {  	v33 =	vadd.f32 v4, v2  }
0x166: {  	v34 =	vpop (erf)  }
0x167: {  	v7 =	vsub.f32 $0.0e+00, v33;
	v8 =	vpop (erf)  }
0x168: {  	v8 =	vadd.f32 $1.000000000e+00, v8  }
0x169: {  	v7 =	vmul.f32 $1.442695020e+00, v7  }
0x16a: {  	v5 =	vld.idx.msk [tilespmem:v32+s25+$0x0], $0xffff;
	(erf) = vrcp.f32 v8  }
0x16b: {  	v6 =	vld.idx.msk [tilespmem:v31+s3+$0x0], $0xffff;
	(erf) = vpow2.f32 v7  }
0x16c: {  	s12 =	sadd.s32 $0x27A0, s17;
	s11 =	sadd.s32 $0x150, s9  }
0x16d: {  	s10 =	sand.u32 $0x70, s11;
	s11 =	sand.u32 $0xFFFFFF00, s12  }
0x16e: {  	s10 =	sor.u32 s10, s11  }
0x16f: {  	v36 =	vld [tilespmem:s10+$0x4F80]  }
0x170: {  	v35 =	vld [tilespmem:s10+$0x4F00];
	v5 =	vadd.f32 v5, v6;
	_ =	sdelay $0x1  }
0x171: {  	v37 =	vadd.f32 v5, v2  }
0x172: {  	v38 =	vpop (erf)  }
0x173: {  	v8 =	vsub.f32 $0.0e+00, v37;
	v9 =	vpop (erf)  }
0x174: {  	v9 =	vadd.f32 $1.000000000e+00, v9  }
0x175: {  	v8 =	vmul.f32 $1.442695020e+00, v8  }
0x176: {  	v6 =	vld.idx.msk [tilespmem:v36+s25+$0x0], $0xffff;
	(erf) = vrcp.f32 v9  }
0x177: {  	v7 =	vld.idx.msk [tilespmem:v35+s3+$0x0], $0xffff;
	(erf) = vpow2.f32 v8  }
0x178: {  	s12 =	sadd.s32 $0x27C0, s17;
	s11 =	sadd.s32 $0x160, s9  }
0x179: {  	s10 =	sand.u32 $0x70, s11;
	s11 =	sand.u32 $0xFFFFFF00, s12  }
0x17a: {  	s10 =	sor.u32 s10, s11  }
0x17b: {  	v40 =	vld [tilespmem:s10+$0x4F80]  }
0x17c: {  	v39 =	vld [tilespmem:s10+$0x4F00];
	v6 =	vadd.f32 v6, v7;
	_ =	sdelay $0x1  }
0x17d: {  	v41 =	vadd.f32 v6, v2  }
0x17e: {  	v42 =	vpop (erf)  }
0x17f: {  	v9 =	vsub.f32 $0.0e+00, v41;
	v10 =	vpop (erf)  }
0x180: {  	v10 =	vadd.f32 $1.000000000e+00, v10  }
0x181: {  	v9 =	vmul.f32 $1.442695020e+00, v9  }
0x182: {  	v7 =	vld.idx.msk [tilespmem:v40+s25+$0x0], $0xffff;
	(erf) = vrcp.f32 v10  }
0x183: {  	v8 =	vld.idx.msk [tilespmem:v39+s3+$0x0], $0xffff;
	(erf) = vpow2.f32 v9  }
0x184: {  	s12 =	sadd.s32 $0x27E0, s17;
	s11 =	sadd.s32 $0x170, s9  }
0x185: {  	s10 =	sand.u32 $0x70, s11;
	s11 =	sand.u32 $0xFFFFFF00, s12  }
0x186: {  	s10 =	sor.u32 s10, s11  }
0x187: {  	v44 =	vld [tilespmem:s10+$0x4F80]  }
0x188: {  	v43 =	vld [tilespmem:s10+$0x4F00];
	v7 =	vadd.f32 v7, v8;
	_ =	sdelay $0x1  }
0x189: {  	v45 =	vadd.f32 v7, v2  }
0x18a: {  	v46 =	vpop (erf)  }
0x18b: {  	v10 =	vsub.f32 $0.0e+00, v45;
	v11 =	vpop (erf)  }
0x18c: {  	v11 =	vadd.f32 $1.000000000e+00, v11  }
0x18d: {  	v10 =	vmul.f32 $1.442695020e+00, v10  }
0x18e: {  	v8 =	vld.idx.msk [tilespmem:v44+s25+$0x0], $0xffff;
	(erf) = vrcp.f32 v11  }
0x18f: {  	v9 =	vld.idx.msk [tilespmem:v43+s3+$0x0], $0xffff;
	(erf) = vpow2.f32 v10;
	_ =	sdelay $0x1  }
0x190: {  	s12 =	sadd.s32 $0x2800, s17  }
0x191: {  	s10 =	sand.u32 $0xFFFFFF00, s12  }
0x192: {  	v48 =	vld.idx.msk [tilespmem:v0+s10+$0x80 ss:$0x1], $0xffff  }
0x193: {  	v47 =	vld.idx.msk [tilespmem:v0+s10+$0x0 ss:$0x1], $0xffff;
	v8 =	vadd.f32 v8, v9;
	_ =	sdelay $0x1  }
0x194: {  	v49 =	vadd.f32 v8, v2  }
0x195: {  	v50 =	vpop (erf)  }
0x196: {  	v11 =	vsub.f32 $0.0e+00, v49;
	v12 =	vpop (erf)  }
0x197: {  	v12 =	vadd.f32 $1.000000000e+00, v12  }
0x198: {  	v11 =	vmul.f32 $1.442695020e+00, v11  }
0x199: {  	v9 =	vld.idx.msk [tilespmem:v48+s25+$0x0], $0xffff;
	(erf) = vrcp.f32 v12  }
0x19a: {  	v10 =	vld.idx.msk [tilespmem:v47+s3+$0x0], $0xffff;
	(erf) = vpow2.f32 v11  }
0x19b: {  	s11 =	sadd.s32 $0x190, s9;
	s12 =	sadd.s32 $0x2820, s17  }
0x19c: {  	s10 =	sand.u32 $0x70, s11;
	s11 =	sand.u32 $0xFFFFFF00, s12  }
0x19d: {  	s10 =	sor.u32 s10, s11  }
0x19e: {  	v52 =	vld [tilespmem:s10+$0x4F80]  }
0x19f: {  	v51 =	vld [tilespmem:s10+$0x4F00];
	v9 =	vadd.f32 v9, v10;
	_ =	sdelay $0x1  }
0x1a0: {  	v53 =	vadd.f32 v9, v2  }
0x1a1: {  	v54 =	vpop (erf)  }
0x1a2: {  	v12 =	vsub.f32 $0.0e+00, v53;
	v13 =	vpop (erf)  }
0x1a3: {  	v13 =	vadd.f32 $1.000000000e+00, v13  }
0x1a4: {  	v12 =	vmul.f32 $1.442695020e+00, v12  }
0x1a5: {  	v10 =	vld.idx.msk [tilespmem:v52+s25+$0x0], $0xffff;
	(erf) = vrcp.f32 v13  }
0x1a6: {  	v11 =	vld.idx.msk [tilespmem:v51+s3+$0x0], $0xffff;
	(erf) = vpow2.f32 v12  }
0x1a7: {  	s12 =	sadd.s32 $0x2840, s17;
	s11 =	sadd.s32 $0x1A0, s9  }
0x1a8: {  	s10 =	sand.u32 $0x70, s11;
	s11 =	sand.u32 $0xFFFFFF00, s12  }
0x1a9: {  	s10 =	sor.u32 s10, s11  }
0x1aa: {  	v56 =	vld [tilespmem:s10+$0x4F80]  }
0x1ab: {  	v55 =	vld [tilespmem:s10+$0x4F00];
	v10 =	vadd.f32 v10, v11;
	_ =	sdelay $0x1  }
0x1ac: {  	v57 =	vadd.f32 v10, v2  }
0x1ad: {  	v58 =	vpop (erf)  }
0x1ae: {  	v13 =	vsub.f32 $0.0e+00, v57;
	v14 =	vpop (erf)  }
0x1af: {  	v14 =	vadd.f32 $1.000000000e+00, v14  }
0x1b0: {  	v13 =	vmul.f32 $1.442695020e+00, v13  }
0x1b1: {  	v11 =	vld.idx.msk [tilespmem:v56+s25+$0x0], $0xffff;
	(erf) = vrcp.f32 v14  }
0x1b2: {  	v12 =	vld.idx.msk [tilespmem:v55+s3+$0x0], $0xffff;
	(erf) = vpow2.f32 v13  }
0x1b3: {  	s12 =	sadd.s32 $0x2860, s17;
	s11 =	sadd.s32 $0x1B0, s9  }
0x1b4: {  	s10 =	sand.u32 $0x70, s11;
	s11 =	sand.u32 $0xFFFFFF00, s12  }
0x1b5: {  	s10 =	sor.u32 s10, s11  }
0x1b6: {  	v60 =	vld [tilespmem:s10+$0x4F80]  }
0x1b7: {  	v59 =	vld [tilespmem:s10+$0x4F00];
	v11 =	vadd.f32 v11, v12;
	_ =	sdelay $0x1  }
0x1b8: {  	v11 =	vadd.f32 v11, v2  }
0x1b9: {  	v14 =	vpop (erf)  }
0x1ba: {  	v11 =	vsub.f32 $0.0e+00, v11;
	v15 =	vpop (erf)  }
0x1bb: {  	v15 =	vadd.f32 $1.000000000e+00, v15  }
0x1bc: {  	v11 =	vmul.f32 $1.442695020e+00, v11  }
0x1bd: {  	v61 =	vld.idx.msk [tilespmem:v60+s25+$0x0], $0xffff;
	(erf) = vrcp.f32 v15  }
0x1be: {  	v13 =	vld.idx.msk [tilespmem:v59+s3+$0x0], $0xffff;
	(erf) = vpow2.f32 v11  }
0x1bf: {  	s12 =	sadd.s32 $0x2880, s17;
	s11 =	sadd.s32 $0x1C0, s9  }
0x1c0: {  	s10 =	sand.u32 $0x70, s11;
	s11 =	sand.u32 $0xFFFFFF00, s12  }
0x1c1: {  	s10 =	sor.u32 s10, s11  }
0x1c2: {  	v63 =	vld [tilespmem:s10+$0x4F80]  }
0x1c3: {  	v62 =	vld [tilespmem:s10+$0x4F00];
	v11 =	vadd.f32 v61, v13;
	_ =	sdelay $0x1  }
0x1c4: {  	v11 =	vadd.f32 v11, v2  }
0x1c5: {  	v15 =	vpop (erf)  }
0x1c6: {  	v11 =	vsub.f32 $0.0e+00, v11;
	v16 =	vpop (erf)  }
0x1c7: {  	v16 =	vadd.f32 $1.000000000e+00, v16  }
0x1c8: {  	v11 =	vmul.f32 $1.442695020e+00, v11  }
0x1c9: {  	v19 =	vld.idx.msk [tilespmem:v63+s25+$0x0], $0xffff;
	(erf) = vrcp.f32 v16  }
0x1ca: {  	v12 =	vld.idx.msk [tilespmem:v62+s3+$0x0], $0xffff;
	(erf) = vpow2.f32 v11  }
0x1cb: {  	s12 =	sadd.s32 $0x28A0, s17;
	s11 =	sadd.s32 $0x1D0, s9  }
0x1cc: {  	s10 =	sand.u32 $0x70, s11;
	s11 =	sand.u32 $0xFFFFFF00, s12  }
0x1cd: {  	s10 =	sor.u32 s10, s11  }
0x1ce: {  	v21 =	vld [tilespmem:s10+$0x4F80]  }
0x1cf: {  	v20 =	vld [tilespmem:s10+$0x4F00];
	v11 =	vadd.f32 v19, v12;
	_ =	sdelay $0x1  }
0x1d0: {  	v11 =	vadd.f32 v11, v2  }
0x1d1: {  	v16 =	vpop (erf)  }
0x1d2: {  	v11 =	vsub.f32 $0.0e+00, v11;
	v17 =	vpop (erf)  }
0x1d3: {  	v17 =	vadd.f32 $1.000000000e+00, v17  }
0x1d4: {  	v11 =	vmul.f32 $1.442695020e+00, v11  }
0x1d5: {  	v22 =	vld.idx.msk [tilespmem:v21+s25+$0x0], $0xffff;
	(erf) = vrcp.f32 v17  }
0x1d6: {  	v13 =	vld.idx.msk [tilespmem:v20+s3+$0x0], $0xffff;
	(erf) = vpow2.f32 v11  }
0x1d7: {  	s12 =	sadd.s32 $0x28C0, s17;
	s11 =	sadd.s32 $0x1E0, s9  }
0x1d8: {  	s10 =	sand.u32 $0x70, s11;
	s11 =	sand.u32 $0xFFFFFF00, s12  }
0x1d9: {  	s10 =	sor.u32 s10, s11  }
0x1da: {  	v24 =	vld [tilespmem:s10+$0x4F80]  }
0x1db: {  	v23 =	vld [tilespmem:s10+$0x4F00];
	v11 =	vadd.f32 v22, v13;
	_ =	sdelay $0x1  }
0x1dc: {  	v11 =	vadd.f32 v11, v2  }
0x1dd: {  	v17 =	vpop (erf)  }
0x1de: {  	v11 =	vsub.f32 $0.0e+00, v11;
	v18 =	vpop (erf)  }
0x1df: {  	v18 =	vadd.f32 $1.000000000e+00, v18  }
0x1e0: {  	v11 =	vmul.f32 $1.442695020e+00, v11  }
0x1e1: {  	v25 =	vld.idx.msk [tilespmem:v24+s25+$0x0], $0xffff;
	(erf) = vrcp.f32 v18  }
0x1e2: {  	v12 =	vld.idx.msk [tilespmem:v23+s3+$0x0], $0xffff;
	(erf) = vpow2.f32 v11  }
0x1e3: {  	s9 =	sadd.s32 $0x1F0, s9;
	s12 =	sadd.s32 $0x28E0, s17  }
0x1e4: {  	s9 =	sand.u32 $0x70, s9;
	s10 =	sand.u32 $0xFFFFFF00, s12  }
0x1e5: {  	s9 =	sor.u32 s9, s10  }
0x1e6: {  	v27 =	vld [tilespmem:s9+$0x4F80]  }
0x1e7: {  	v26 =	vld [tilespmem:s9+$0x4F00];
	v11 =	vadd.f32 v25, v12;
	_ =	sdelay $0x1  }
0x1e8: {  	v11 =	vadd.f32 v11, v2  }
0x1e9: {  	v18 =	vpop (erf)  }
0x1ea: {  	v11 =	vsub.f32 $0.0e+00, v11;
	v19 =	vpop (erf)  }
0x1eb: {  	v19 =	vadd.f32 $1.000000000e+00, v19  }
0x1ec: {  	v11 =	vmul.f32 $1.442695020e+00, v11  }
0x1ed: {  	v28 =	vld.idx.msk [tilespmem:v27+s25+$0x0], $0xffff;
	(erf) = vrcp.f32 v19  }
0x1ee: {  	v13 =	vld.idx.msk [tilespmem:v26+s3+$0x0], $0xffff;
	(erf) = vpow2.f32 v11;
	_ =	sdelay $0x4  }
0x1ef: {  	v11 =	vadd.f32 v28, v13  }
0x1f0: {  	v30 =	vmul.f32 v34, v1  }
0x1f1: {  	v11 =	vadd.f32 v11, v2  }
0x1f2: {  	v29 =	vmul.f32 v3, v1;
	[tilespmem:s5+$0xFFFFFF10] =	vst v3;
	v31 =	vadd.f32 $1.000000000e+00, v30;
	v32 =	vmul.f32 v38, v1;
	v3 =	vpop (erf)  }
0x1f3: {  	[tilespmem:s5+$0xFFFFFF20] =	vst v34;
	v11 =	vsub.f32 $0.0e+00, v11;
	v33 =	vpop (erf)  }
0x1f4: {  	[tilespmem:s7+$0xFFFFFF20] =	vst v31;
	v35 =	vadd.f32 $1.000000000e+00, v32;
	v36 =	vmul.f32 v42, v1;
	v34 =	vadd.f32 $1.000000000e+00, v33  }
0x1f5: {  	[tilespmem:s5+$0xFFFFFF30] =	vst v38;
	v11 =	vmul.f32 $1.442695020e+00, v11  }
0x1f6: {  	[tilespmem:s7+$0xFFFFFF30] =	vst v35;
	v37 =	vadd.f32 $1.000000000e+00, v36;
	v38 =	vmul.f32 v46, v1;
	(erf) = vrcp.f32 v34  }
0x1f7: {  	[tilespmem:s5+$0xFFFFFF40] =	vst v42;
	(erf) = vpow2.f32 v11  }
0x1f8: {  	[tilespmem:s7+$0xFFFFFF40] =	vst v37;
	v39 =	vadd.f32 $1.000000000e+00, v38;
	v40 =	vmul.f32 v50, v1  }
0x1f9: {  	[tilespmem:s5+$0xFFFFFF50] =	vst v46  }
0x1fa: {  	[tilespmem:s7+$0xFFFFFF50] =	vst v39;
	v41 =	vadd.f32 $1.000000000e+00, v40;
	v42 =	vmul.f32 v54, v1  }
0x1fb: {  	[tilespmem:s5+$0xFFFFFF60] =	vst v50  }
0x1fc: {  	[tilespmem:s7+$0xFFFFFF60] =	vst v41;
	v43 =	vadd.f32 $1.000000000e+00, v42;
	v44 =	vmul.f32 v58, v1  }
0x1fd: {  	[tilespmem:s5+$0xFFFFFF70] =	vst v54  }
0x1fe: {  	[tilespmem:s7+$0xFFFFFF70] =	vst v43;
	v46 =	vadd.f32 $1.000000000e+00, v44;
	v47 =	vmul.f32 v14, v1  }
0x1ff: {  	[tilespmem:s5+$0xFFFFFF80] =	vst v58;
	v45 =	vpop (erf)  }
0x200: {  	[tilespmem:s7+$0xFFFFFF80] =	vst v46;
	v49 =	vadd.f32 $1.000000000e+00, v47;
	v50 =	vmul.f32 v15, v1;
	v48 =	vpop (erf)  }
0x201: {  	[tilespmem:s5+$0xFFFFFF90] =	vst v14;
	v7 =	vadd.f32 $1.000000000e+00, v48  }
0x202: {  	[tilespmem:s7+$0xFFFFFF90] =	vst v49;
	v51 =	vadd.f32 $1.000000000e+00, v50;
	v52 =	vmul.f32 v16, v1  }
0x203: {  	[tilespmem:s5+$0xFFFFFFA0] =	vst v15;
	(erf) = vrcp.f32 v7  }
0x204: {  	[tilespmem:s7+$0xFFFFFFA0] =	vst v51;
	v53 =	vadd.f32 $1.000000000e+00, v52;
	v54 =	vmul.f32 v17, v1  }
0x205: {  	[tilespmem:s5+$0xFFFFFFB0] =	vst v16  }
0x206: {  	[tilespmem:s7+$0xFFFFFFB0] =	vst v53;
	v55 =	vadd.f32 $1.000000000e+00, v54  }
0x207: {  	[tilespmem:s5+$0xFFFFFFC0] =	vst v17;
	v12 =	vadd.f32 $1.000000000e+00, v29;
	v56 =	vmul.f32 v18, v1  }
0x208: {  	[tilespmem:s7+$0xFFFFFFC0] =	vst v55  }
0x209: {  	[tilespmem:s7+$0xFFFFFF10] =	vst v12;
	v57 =	vadd.f32 $1.000000000e+00, v56;
	v58 =	vmul.f32 v3, v1  }
0x20a: {  	[tilespmem:s5+$0xFFFFFFD0] =	vst v18  }
0x20b: {  	s4 =	sadd.s32 $0x100, s4;
	[tilespmem:s7+$0xFFFFFFD0] =	vst v57;
	v59 =	vadd.f32 $1.000000000e+00, v58;
	v60 =	vmul.f32 v45, v1  }
0x20c: {  	p1 =	slt.u32 s4, $0x2580;
	[tilespmem:s5+$0xFFFFFFE0] =	vst v3;
	v3 =	vpop (erf)  }
.Ltmp2:
0x20d: {  	[tilespmem:s7+$0xFFFFFFE0] =	vst v59;
	v61 =	vadd.f32 $1.000000000e+00, v60;
	v62 =	vmul.f32 v3, v1;
	(pc) =	sbr.rel @p1 .LBB2_6-.Ltmp2, $4  }
0x20e: {  	[tilespmem:s5+$0xFFFFFFF0] =	vst v45  }
0x20f: {  	[tilespmem:s7+$0xFFFFFFF0] =	vst v61;
	v63 =	vadd.f32 $1.000000000e+00, v62  }
0x210: {  	s17 =	sadd.s32 $0x200, s17;
	s11 =	simm.s32 $0xF100;
	s10 =	simm.s32 $0xC980;
	[tilespmem:s5+$0x0] =	vst v3  }
0x211: {  	s9 =	simm.s32 $0x2670;
	s5 =	sadd.s32 $0x100, s5;
	[tilespmem:s7+$0x0] =	vst v63;
	s7 =	sadd.s32 $0x100, s7  }
0x212: {  	s4 =	smov.u32 s22  }
.LBB2_8:
0x213: {  	s5 =	sadd.s32 s9, s21  }
0x214: {  	s5 =	sadd.s32 $0xFFFFD990, s5  }
0x215: {  	s7 =	sand.u32 $0xFFFFFF00, s4;
	s5 =	sand.u32 $0x70, s5  }
0x216: {  	s5 =	sor.u32 s5, s7  }
0x217: {  	v3 =	vld [tilespmem:s5+$0x4F00]  }
0x218: {  	v4 =	vld [tilespmem:s5+$0x4F80];
	_ =	sdelay $0x6  }
0x219: {  	v3 =	vld.idx.msk [tilespmem:v3+s3+$0x0], $0xffff  }
0x21a: {  	v4 =	vld.idx.msk [tilespmem:v4+s25+$0x0], $0xffff;
	_ =	sdelay $0x4  }
0x21b: {  	v3 =	vadd.f32 v4, v3;
	_ =	sdelay $0x1  }
0x21c: {  	v3 =	vadd.f32 v3, v2;
	_ =	sdelay $0x1  }
0x21d: {  	v3 =	vsub.f32 $0.0e+00, v3;
	_ =	sdelay $0x1  }
0x21e: {  	v3 =	vmul.f32 $1.442695020e+00, v3;
	_ =	sdelay $0x1  }
0x21f: {  	(erf) = vpow2.f32 v3;
	_ =	sdelay $0x8  }
0x220: {  	v3 =	vpop (erf)  }
0x221: {  	v3 =	vadd.f32 $1.000000000e+00, v3;
	_ =	sdelay $0x1  }
0x222: {  	(erf) = vrcp.f32 v3;
	_ =	sdelay $0x7  }
0x223: {  	s9 =	sadd.s32 $0x10, s9  }
0x224: {  	p1 =	slt.u32 s9, $0x2700;
	v3 =	vpop (erf)  }
.Ltmp3:
0x225: {  	v63 =	vmul.f32 v3, v1;
	(pc) =	sbr.rel @p1 .LBB2_8-.Ltmp3, $4  }
0x226: {  	_ = 	snop  }
0x227: {  	v4 =	vadd.f32 $1.000000000e+00, v63  }
0x228: {  	[tilespmem:s11+$0x0] =	vst v3  }
0x229: {  	s4 =	sadd.s32 $0x20, s4;
	s11 =	sadd.s32 $0x10, s11;
	[tilespmem:s10+$0x0] =	vst v4;
	s10 =	sadd.s32 $0x10, s10  }
0x22a: {  	s4 =	rddreg [dreg:$0xe];
	s5 =	simm.s32 $0xB680  }
0x22b: {  	[hbm4b:s4+s3] =	stream.linear.scatter [tilespmem:s5], [sflag:$0x6], $0x1390, $0x38;
	[tilespmem:$0xF7F0] =	vst v63  }
0x22c: {  	s17 =	simm.s32 $0xDE00  }
0x22d: {  	[hbm4b:s14+s3] =	stream.linear.scatter [tilespmem:s17], [sflag:$0x7], $0x1390, $0x38;
	[tilespmem:$0xF7F0] =	vst v63  }
0x22e: {  	_ =	swait.ge [sflag:s24], $0x1380  }
0x22f: {  	[sflag:s24] =	ssyncset.done $0x0  }
0x230: {  	[sflag:s24] =	ssyncadd.s32 $0xFFFFEC80  }
0x231: {  	_ =	swait.ge [sflag:s29], $0x1380  }
0x232: {  	[sflag:s29] =	ssyncset.done $0x0  }
0x233: {  	s2 =	sadd.s32 $0x1, s2;
	[sflag:s29] =	ssyncadd.s32 $0xFFFFEC80  }
0x234: {  	p1 =	sne.s32 s2, s15;
	_ =	swait.ge [sflag:s23], $0x1390  }
.Ltmp4:
0x235: {  	[sflag:s23] =	ssyncset.done $0x0;
	(pc) =	sbr.rel @p1 .LBB2_1-.Ltmp4, $4  }
0x236: {  	[sflag:s23] =	ssyncadd.s32 $0xFFFFEC70  }
0x237: {  	_ =	swait.ge [sflag:s1], $0x1390  }
0x238: {  	[sflag:s1] =	ssyncset.done $0x0  }
0x239: {  	[sflag:s1] =	ssyncadd.s32 $0xFFFFEC70  }
0x23a: {  	_ =	sfence.sel $0x180000  }
0x23b: {  	[bflag:$0x0] =	sbarrier.arrive $0xFFFF  }
0x23c: {  	_ =	strace $0x90000047  }
0x23d: {  	[bflag:$0x2] =	sbarrier.arrive $0xFFFF  }
0x23e: {  	s0 =	rddreg [dreg:$0x6]  }
0x23f: {  	s0 =	sadd.s32 @!p0 $0x100000, s0  }
0x240: {  	[sflag:s0] =	ssyncadd.tile.s32 @!p0 $0x1;
	_ =	shalt  }
.Lfunc_end2:
_tile_overlayer_lowered:
.L_overlay_start_2:
0x241: {  	(tag) =	ssettag $0x2  }
0x242: {  	s0 =	rddreg [dreg:$0x0];
	s2 =	stileid.u32  }
0x243: {  	s1 =	rddreg [dreg:$0x1];
	p0 =	sne.s32 s2, $0x0  }
0x244: {  	s3 =	rddreg [dreg:$0x2];
	[bflag:$0x3] =	sbarrier.arrive $0xFFFF;
	s2 =	simm.s32 @!p0 $0x1C09  }
0x245: {  	[timem:s3], [sflag:s2] =	dma.local @!p0 [hbm:s0], s1  }
0x246: {  	s0 =	simm.s32 @!p0 $0x9  }
0x247: {  	_ =	swait.ge @!p0 [sflag:s0], s1  }
0x248: {  	s1 =	ssub.s32 @!p0 $0x0, s1;
	[sflag:s0] =	ssyncset.done @!p0 $0x0  }
0x249: {  	[sflag:s0] =	ssyncadd.s32 @!p0 s1  }
0x24a: {  	[bflag:$0x3] =	sbarrier.arrive $0xFFFF  }
0x24b: {  	_ =	shalt  }

</sc_bundles>
